<compile_context>
chip_gen: v7x
topology: tpu7x:2x2x1
jax: 0.10.2.dev20260603
libtpu: 0.0.44.dev20260713+nightly
codegen_flags: <defaults>
</compile_context>

<pallas_src>
import functools

import jax
import jax.numpy as jnp
from jax import lax
from jax.experimental import pallas as pl
from jax.experimental.pallas import tpu as pltpu
from jax.experimental.pallas import tpu_sc as plsc

N_CTX = 16
CTX_DIM = 512
SEQ = 77
N_CLS = 1024
N_SUF = SEQ - N_CTX - 1

_INFO = plsc.get_sparse_core_info()
_NC = _INFO.num_cores
_NS = _INFO.num_subcores
_NW = _NC * _NS
_CPW = N_CLS // _NW
_IW = 64
_WCHUNK = _CPW + _CPW * _IW


def _sc_kernel(gi_hbm, ctx_hbm, table_hbm, out_hbm,
               idx_v, p_v, blk0, blk1, g0, g1, w0, w1, ps):
    wid = lax.axis_index("s") * _NC + lax.axis_index("c")
    base = wid * _CPW
    pltpu.sync_copy(gi_hbm.at[pl.ds(wid * _WCHUNK, _WCHUNK)], idx_v)
    pltpu.async_copy(table_hbm.at[idx_v.at[pl.ds(0, _CPW)]], p_v, ps).wait()
    pw = pltpu.make_async_copy(p_v, out_hbm.at[pl.ds(base, _CPW), 0], ps)
    pw.start()
    pltpu.sync_copy(ctx_hbm, blk0.at[pl.ds(1, N_CTX)])
    pltpu.sync_copy(ctx_hbm, blk1.at[pl.ds(1, N_CTX)])

    def suffix_gather(i, blk, sem):
        return pltpu.async_copy(
            table_hbm.at[idx_v.at[pl.ds(_CPW + i * _IW, N_SUF)]],
            blk.at[pl.ds(1 + N_CTX, N_SUF)], sem)

    def write_desc(c, blk, sem):
        return pltpu.make_async_copy(
            blk.at[pl.ds(1, SEQ - 1)], out_hbm.at[c, pl.ds(1, SEQ - 1)], sem)

    def body(j, carry):
        a = base + 2 * j

        @pl.when(j > 0)
        def _():
            write_desc(a - 2, blk0, w0).wait()

        sa = suffix_gather(2 * j, blk0, g0)

        @pl.when(j > 0)
        def _():
            write_desc(a - 1, blk1, w1).wait()

        sb = suffix_gather(2 * j + 1, blk1, g1)

        sa.wait()
        write_desc(a, blk0, w0).start()
        sb.wait()
        write_desc(a + 1, blk1, w1).start()
        return carry

    lax.fori_loop(0, _CPW // 2, body, 0)
    write_desc(base + _CPW - 2, blk0, w0).wait()
    write_desc(base + _CPW - 1, blk1, w1).wait()
    pw.wait()


@jax.jit
def _run(gi, ctx, token_embedding):
    mesh = plsc.VectorSubcoreMesh(core_axis_name="c", subcore_axis_name="s")
    f = functools.partial(
        pl.kernel,
        mesh=mesh,
        compiler_params=pltpu.CompilerParams(use_tc_tiling_on_sc=False),
        out_type=jax.ShapeDtypeStruct((N_CLS, SEQ, CTX_DIM), jnp.float32),
        scratch_types=[
            pltpu.VMEM((_WCHUNK,), jnp.int32),
            pltpu.VMEM((_CPW, CTX_DIM), jnp.float32),
            pltpu.VMEM((SEQ, CTX_DIM), jnp.float32),
            pltpu.VMEM((SEQ, CTX_DIM), jnp.float32),
            pltpu.SemaphoreType.DMA,
            pltpu.SemaphoreType.DMA,
            pltpu.SemaphoreType.DMA,
            pltpu.SemaphoreType.DMA,
            pltpu.SemaphoreType.DMA,
        ],
    )(_sc_kernel)
    return f(gi, ctx, token_embedding)


def kernel(tokenized_prompts, token_embedding, ctx):
    tp = tokenized_prompts
    pref = tp[:, 0].reshape(_NW, _CPW)
    suf = jnp.zeros((N_CLS, _IW), jnp.int32)
    suf = suf.at[:, :N_SUF].set(tp[:, 1 + N_CTX:])
    suf = suf.reshape(_NW, _CPW * _IW)
    gi = jnp.concatenate([pref, suf], axis=1).reshape(-1)
    prompts = _run(gi, ctx, token_embedding)
    return prompts, tokenized_prompts

# --- scband reference (transcript-rebuilt; emitter-appended) ---
"""Pipeline reference for scband-cap-prompt-learner-63324997812338 (READ-ONLY COPY).

The authoritative reference and input builder live on the scoring server;
editing this copy changes nothing except your own understanding.
"""

import jax, jax.numpy as jnp
import numpy as np

N_CTX = 16
CTX_DIM = 512
VOCAB = 49408
SEQ = 77
N_CLS = 1024


def setup_inputs(seed: int = 0) -> dict:
    key = jax.random.key(seed)
    k1, k2, k3 = jax.random.split(key, 3)
    tokenized_prompts = jax.random.randint(k1, (N_CLS, SEQ), 0, VOCAB, dtype=jnp.int64 if jax.config.jax_enable_x64 else jnp.int32).astype(jnp.int32)
    token_embedding = jax.random.normal(k2, (VOCAB, CTX_DIM), dtype=jnp.float32) * 0.02
    ctx = jax.random.normal(k3, (N_CTX, CTX_DIM), dtype=jnp.float32) * 0.02
    return {"tokenized_prompts": tokenized_prompts, "token_embedding": token_embedding, "ctx": ctx}


def reference(tokenized_prompts, token_embedding, ctx):
    # Faithful translation of CapPromptLearner.forward with tokenization
    # pre-materialized as integer token ids.
    n_cls = tokenized_prompts.shape[0]
    # clip_model.token_embedding(tokenized_prompts): embedding gather
    embedding = jnp.take(token_embedding, tokenized_prompts, axis=0)  # [n_cls, 77, ctx_dim]
    # prefix = embedding[:, :1, :]  (SOS token)
    prefix = embedding[:, :1, :]
    # suffix = embedding[:, 1 + n_ctx:, :]  (caption tokens + EOS + padding)
    suffix = embedding[:, 1 + N_CTX:, :]
    # ctx.dim() == 2 -> expand over classes
    ctx_expanded = jnp.broadcast_to(ctx[None, :, :], (n_cls, N_CTX, CTX_DIM))
    # construct_prompts: cat([prefix, ctx, suffix], dim=1)
    prompts = jnp.concatenate([prefix, ctx_expanded, suffix], axis=1)  # [n_cls, 77, ctx_dim]
    return prompts, tokenized_prompts

if __name__ == "__main__":
    import jax
    _d = setup_inputs()
    print(jax.jit(kernel)(*tuple(_d.values())))

</pallas_src>

<mosaic_0001>
#map = affine_map<(d0, d1) -> (0)>
#map1 = affine_map<(d0, d1) -> (0, 0)>
#map2 = affine_map<(d0, d1) -> (0, 0, 0)>
module attributes {stable_mosaic.version = 14 : i64} {
  func.func @_sc_kernel(%arg0: i32, %arg1: i32, %arg2: memref<66560xi32, #tpu.memory_space<hbm>>, %arg3: memref<16x512xf32, #tpu.memory_space<hbm>>, %arg4: memref<49408x512xf32, #tpu.memory_space<hbm>>, %arg5: memref<1024x77x512xf32, #tpu.memory_space<hbm>>, %arg6: memref<2080xi32, #tpu.memory_space<vmem>>, %arg7: memref<32x512xf32, #tpu.memory_space<vmem>>, %arg8: memref<77x512xf32, #tpu.memory_space<vmem>>, %arg9: memref<77x512xf32, #tpu.memory_space<vmem>>, %arg10: memref<!tpu.dma_semaphore, #tpu.memory_space<semaphore_mem>>, %arg11: memref<!tpu.dma_semaphore, #tpu.memory_space<semaphore_mem>>, %arg12: memref<!tpu.dma_semaphore, #tpu.memory_space<semaphore_mem>>, %arg13: memref<!tpu.dma_semaphore, #tpu.memory_space<semaphore_mem>>, %arg14: memref<!tpu.dma_semaphore, #tpu.memory_space<semaphore_mem>>) attributes {dimension_semantics = [#tpu.dimension_semantics<core_parallel>, #tpu.dimension_semantics<subcore_parallel>], iteration_bounds = array<i64: 2, 16>, scalar_prefetch = 0 : i64, scratch_operands = 9 : i64, tpu.core_type = #tpu.core_type<sc_vector_subcore>, window_params = [{transform_indices = #map}, {transform_indices = #map1}, {transform_indices = #map1}, {transform_indices = #map2}]} {
    %mul3A = arith.constant 2 : i32
    %mul3A_0 = arith.muli %arg1, %mul3A : i32
    %add3A = arith.addi %mul3A_0, %arg0 : i32
    %mul3A_1 = arith.constant 32 : i32
    %mul3A_2 = arith.muli %add3A, %mul3A_1 : i32
    %mul3A_3 = arith.constant 2080 : i32
    %mul3A_4 = arith.muli %add3A, %mul3A_3 : i32
    "tpu.region"() ({
      %run_scoped3A = tpu.sem_alloc : memref<!tpu.dma_semaphore, #tpu.memory_space<semaphore_mem>>
      %dma_start3A_67 = tpu.memref_slice %arg2[%mul3A_4] : memref<66560xi32, #tpu.memory_space<hbm>> -> memref<2080xi32, #tpu.memory_space<hbm>>
      %dma_start3A_68 = tpu.memref_slice %arg2[%mul3A_4] : memref<66560xi32, #tpu.memory_space<hbm>> -> memref<2080xi32, #tpu.memory_space<hbm>>
      tpu.enqueue_dma source(%dma_start3A_68 : memref<2080xi32, #tpu.memory_space<hbm>>) target(%arg6 : memref<2080xi32, #tpu.memory_space<vmem>>) target_semaphore(%run_scoped3A : memref<!tpu.dma_semaphore, #tpu.memory_space<semaphore_mem>>)
      %dma_wait3A_69 = tpu.memref_slice %arg2[%mul3A_4] : memref<66560xi32, #tpu.memory_space<hbm>> -> memref<2080xi32, #tpu.memory_space<hbm>>
      %dma_wait3A_70 = tpu.memref_slice %arg2[%mul3A_4] : memref<66560xi32, #tpu.memory_space<hbm>> -> memref<2080xi32, #tpu.memory_space<hbm>>
      tpu.wait_dma2 semaphore(%run_scoped3A : memref<!tpu.dma_semaphore, #tpu.memory_space<semaphore_mem>>) src(%dma_wait3A_70 : memref<2080xi32, #tpu.memory_space<hbm>>) dst(%arg6 : memref<2080xi32, #tpu.memory_space<vmem>>)
      tpu.yield
    }) : () -> ()
    %dma_start3A = arith.constant 0 : i32
    %dma_start3A_5 = tpu.memref_slice %arg6[%dma_start3A] : memref<2080xi32, #tpu.memory_space<vmem>> -> memref<32xi32, #tpu.memory_space<vmem>>
    %dma_start3A_6 = arith.constant 0 : i32
    %dma_start3A_7 = arith.constant 0 : i32
    %dma_start3A_8 = tpu.memref_slice %arg4[%dma_start3A_6, %dma_start3A_7] : memref<49408x512xf32, #tpu.memory_space<hbm>> -> memref<49408x512xf32, #tpu.memory_space<hbm>>
    tpu.enqueue_indirect_dma source(%dma_start3A_8 : memref<49408x512xf32, #tpu.memory_space<hbm>>) target(%arg7 : memref<32x512xf32, #tpu.memory_space<vmem>>) offsets(%dma_start3A_5 : memref<32xi32, #tpu.memory_space<vmem>>) semaphore(%arg14 : memref<!tpu.dma_semaphore, #tpu.memory_space<semaphore_mem>>)
    %dma_wait3A = arith.constant 0 : i32
    %dma_wait3A_9 = tpu.memref_slice %arg6[%dma_wait3A] : memref<2080xi32, #tpu.memory_space<vmem>> -> memref<32xi32, #tpu.memory_space<vmem>>
    %dma_wait3A_10 = arith.constant 0 : i32
    %dma_wait3A_11 = arith.constant 0 : i32
    %dma_wait3A_12 = tpu.memref_slice %arg4[%dma_wait3A_10, %dma_wait3A_11] : memref<49408x512xf32, #tpu.memory_space<hbm>> -> memref<49408x512xf32, #tpu.memory_space<hbm>>
    tpu.wait_indirect_dma semaphore(%arg14 : memref<!tpu.dma_semaphore, #tpu.memory_space<semaphore_mem>>) src(%dma_wait3A_12 : memref<49408x512xf32, #tpu.memory_space<hbm>>) dst(%arg7 : memref<32x512xf32, #tpu.memory_space<vmem>>)
    %dma_start3A_13 = arith.constant 0 : i32
    %dma_start3A_14 = arith.constant 0 : i32
    %dma_start3A_15 = tpu.memref_slice %arg5[%mul3A_2, %dma_start3A_13, %dma_start3A_14] : memref<1024x77x512xf32, #tpu.memory_space<hbm>> -> memref<32x1x512xf32, #tpu.memory_space<hbm>>
    %dma_start3A_16 = tpu.memref_squeeze %dma_start3A_15 : memref<32x1x512xf32, #tpu.memory_space<hbm>> -> memref<32x512xf32, #tpu.memory_space<hbm>>
    %dma_start3A_17 = arith.constant 0 : i32
    %dma_start3A_18 = tpu.memref_slice %arg5[%mul3A_2, %dma_start3A_13, %dma_start3A_17] : memref<1024x77x512xf32, #tpu.memory_space<hbm>> -> memref<32x1x512xf32, #tpu.memory_space<hbm>>
    %dma_start3A_19 = tpu.memref_squeeze %dma_start3A_18 : memref<32x1x512xf32, #tpu.memory_space<hbm>> -> memref<32x512xf32, #tpu.memory_space<hbm>>
    tpu.enqueue_dma source(%arg7 : memref<32x512xf32, #tpu.memory_space<vmem>>) target(%dma_start3A_19 : memref<32x512xf32, #tpu.memory_space<hbm>>) target_semaphore(%arg14 : memref<!tpu.dma_semaphore, #tpu.memory_space<semaphore_mem>>)
    "tpu.region"() ({
      %run_scoped3A = tpu.sem_alloc : memref<!tpu.dma_semaphore, #tpu.memory_space<semaphore_mem>>
      %dma_start3A_67 = arith.constant 1 : i32
      %dma_start3A_68 = arith.constant 0 : i32
      %dma_start3A_69 = tpu.memref_slice %arg8[%dma_start3A_67, %dma_start3A_68] : memref<77x512xf32, #tpu.memory_space<vmem>> -> memref<16x512xf32, #tpu.memory_space<vmem>>
      %dma_start3A_70 = arith.constant 1 : i32
      %dma_start3A_71 = arith.constant 0 : i32
      %dma_start3A_72 = tpu.memref_slice %arg8[%dma_start3A_70, %dma_start3A_71] : memref<77x512xf32, #tpu.memory_space<vmem>> -> memref<16x512xf32, #tpu.memory_space<vmem>>
      tpu.enqueue_dma source(%arg3 : memref<16x512xf32, #tpu.memory_space<hbm>>) target(%dma_start3A_72 : memref<16x512xf32, #tpu.memory_space<vmem>>) target_semaphore(%run_scoped3A : memref<!tpu.dma_semaphore, #tpu.memory_space<semaphore_mem>>)
      %dma_wait3A_73 = arith.constant 1 : i32
      %dma_wait3A_74 = arith.constant 0 : i32
      %dma_wait3A_75 = tpu.memref_slice %arg8[%dma_wait3A_73, %dma_wait3A_74] : memref<77x512xf32, #tpu.memory_space<vmem>> -> memref<16x512xf32, #tpu.memory_space<vmem>>
      %dma_wait3A_76 = arith.constant 1 : i32
      %dma_wait3A_77 = arith.constant 0 : i32
      %dma_wait3A_78 = tpu.memref_slice %arg8[%dma_wait3A_76, %dma_wait3A_77] : memref<77x512xf32, #tpu.memory_space<vmem>> -> memref<16x512xf32, #tpu.memory_space<vmem>>
      tpu.wait_dma2 semaphore(%run_scoped3A : memref<!tpu.dma_semaphore, #tpu.memory_space<semaphore_mem>>) src(%arg3 : memref<16x512xf32, #tpu.memory_space<hbm>>) dst(%dma_wait3A_78 : memref<16x512xf32, #tpu.memory_space<vmem>>)
      tpu.yield
    }) : () -> ()
    "tpu.region"() ({
      %run_scoped3A = tpu.sem_alloc : memref<!tpu.dma_semaphore, #tpu.memory_space<semaphore_mem>>
      %dma_start3A_67 = arith.constant 1 : i32
      %dma_start3A_68 = arith.constant 0 : i32
      %dma_start3A_69 = tpu.memref_slice %arg9[%dma_start3A_67, %dma_start3A_68] : memref<77x512xf32, #tpu.memory_space<vmem>> -> memref<16x512xf32, #tpu.memory_space<vmem>>
      %dma_start3A_70 = arith.constant 1 : i32
      %dma_start3A_71 = arith.constant 0 : i32
      %dma_start3A_72 = tpu.memref_slice %arg9[%dma_start3A_70, %dma_start3A_71] : memref<77x512xf32, #tpu.memory_space<vmem>> -> memref<16x512xf32, #tpu.memory_space<vmem>>
      tpu.enqueue_dma source(%arg3 : memref<16x512xf32, #tpu.memory_space<hbm>>) target(%dma_start3A_72 : memref<16x512xf32, #tpu.memory_space<vmem>>) target_semaphore(%run_scoped3A : memref<!tpu.dma_semaphore, #tpu.memory_space<semaphore_mem>>)
      %dma_wait3A_73 = arith.constant 1 : i32
      %dma_wait3A_74 = arith.constant 0 : i32
      %dma_wait3A_75 = tpu.memref_slice %arg9[%dma_wait3A_73, %dma_wait3A_74] : memref<77x512xf32, #tpu.memory_space<vmem>> -> memref<16x512xf32, #tpu.memory_space<vmem>>
      %dma_wait3A_76 = arith.constant 1 : i32
      %dma_wait3A_77 = arith.constant 0 : i32
      %dma_wait3A_78 = tpu.memref_slice %arg9[%dma_wait3A_76, %dma_wait3A_77] : memref<77x512xf32, #tpu.memory_space<vmem>> -> memref<16x512xf32, #tpu.memory_space<vmem>>
      tpu.wait_dma2 semaphore(%run_scoped3A : memref<!tpu.dma_semaphore, #tpu.memory_space<semaphore_mem>>) src(%arg3 : memref<16x512xf32, #tpu.memory_space<hbm>>) dst(%dma_wait3A_78 : memref<16x512xf32, #tpu.memory_space<vmem>>)
      tpu.yield
    }) : () -> ()
    %scan3A = arith.constant 0 : i32
    %scan3A_20 = arith.constant 0 : i32
    %scan3A_21 = arith.constant 16 : i32
    %scan3A_22 = arith.addi %scan3A_20, %scan3A_21 : i32
    %scan3A_23 = arith.constant 1 : i32
    scf.for %scan3A_67 = %scan3A_20 to %scan3A_22 step %scan3A_23  : i32 {
      %mul3A_68 = arith.constant 2 : i32
      %mul3A_69 = arith.muli %mul3A_68, %scan3A_67 : i32
      %add3A_70 = arith.addi %mul3A_2, %mul3A_69 : i32
      %gt3A = arith.constant 0 : i32
      %gt3A_71 = arith.cmpi sgt, %scan3A_67, %gt3A : i32
      %convert_element_type3A = arith.extui %gt3A_71 : i1 to i32
      %cond3A = arith.constant 0 : i32
      %cond3A_72 = arith.cmpi ne, %convert_element_type3A, %cond3A : i32
      scf.if %cond3A_72 {
        %sub3A_150 = arith.constant 2 : i32
        %sub3A_151 = arith.subi %add3A_70, %sub3A_150 : i32
        %dma_wait3A_152 = arith.constant 1 : i32
        %dma_wait3A_153 = arith.constant 0 : i32
        %dma_wait3A_154 = tpu.memref_slice %arg8[%dma_wait3A_152, %dma_wait3A_153] : memref<77x512xf32, #tpu.memory_space<vmem>> -> memref<76x512xf32, #tpu.memory_space<vmem>>
        %dma_wait3A_155 = arith.constant 1 : i32
        %dma_wait3A_156 = arith.constant 0 : i32
        %dma_wait3A_157 = tpu.memref_slice %arg5[%sub3A_151, %dma_wait3A_155, %dma_wait3A_156] : memref<1024x77x512xf32, #tpu.memory_space<hbm>> -> memref<1x76x512xf32, #tpu.memory_space<hbm>>
        %dma_wait3A_158 = tpu.memref_squeeze %dma_wait3A_157 : memref<1x76x512xf32, #tpu.memory_space<hbm>> -> memref<76x512xf32, #tpu.memory_space<hbm>>
        %dma_wait3A_159 = arith.constant 1 : i32
        %dma_wait3A_160 = arith.constant 0 : i32
        %dma_wait3A_161 = tpu.memref_slice %arg5[%sub3A_151, %dma_wait3A_159, %dma_wait3A_160] : memref<1024x77x512xf32, #tpu.memory_space<hbm>> -> memref<1x76x512xf32, #tpu.memory_space<hbm>>
        %dma_wait3A_162 = tpu.memref_squeeze %dma_wait3A_161 : memref<1x76x512xf32, #tpu.memory_space<hbm>> -> memref<76x512xf32, #tpu.memory_space<hbm>>
        %dma_wait3A_163 = arith.constant 1 : i32
        %dma_wait3A_164 = arith.constant 0 : i32
        %dma_wait3A_165 = tpu.memref_slice %arg8[%dma_wait3A_163, %dma_wait3A_164] : memref<77x512xf32, #tpu.memory_space<vmem>> -> memref<76x512xf32, #tpu.memory_space<vmem>>
        tpu.wait_dma2 semaphore(%arg12 : memref<!tpu.dma_semaphore, #tpu.memory_space<semaphore_mem>>) src(%dma_wait3A_165 : memref<76x512xf32, #tpu.memory_space<vmem>>) dst(%dma_wait3A_162 : memref<76x512xf32, #tpu.memory_space<hbm>>)
      } else {
      }
      %mul3A_73 = arith.constant 2 : i32
      %mul3A_74 = arith.muli %mul3A_73, %scan3A_67 : i32
      %mul3A_75 = arith.constant 64 : i32
      %mul3A_76 = arith.muli %mul3A_74, %mul3A_75 : i32
      %add3A_77 = arith.constant 32 : i32
      %add3A_78 = arith.addi %add3A_77, %mul3A_76 : i32
      %dma_start3A_79 = arith.constant 17 : i32
      %dma_start3A_80 = arith.constant 0 : i32
      %dma_start3A_81 = tpu.memref_slice %arg8[%dma_start3A_79, %dma_start3A_80] : memref<77x512xf32, #tpu.memory_space<vmem>> -> memref<60x512xf32, #tpu.memory_space<vmem>>
      %dma_start3A_82 = tpu.memref_slice %arg6[%add3A_78] : memref<2080xi32, #tpu.memory_space<vmem>> -> memref<60xi32, #tpu.memory_space<vmem>>
      %dma_start3A_83 = arith.constant 0 : i32
      %dma_start3A_84 = arith.constant 0 : i32
      %dma_start3A_85 = tpu.memref_slice %arg4[%dma_start3A_83, %dma_start3A_84] : memref<49408x512xf32, #tpu.memory_space<hbm>> -> memref<49408x512xf32, #tpu.memory_space<hbm>>
      tpu.enqueue_indirect_dma source(%dma_start3A_85 : memref<49408x512xf32, #tpu.memory_space<hbm>>) target(%dma_start3A_81 : memref<60x512xf32, #tpu.memory_space<vmem>>) offsets(%dma_start3A_82 : memref<60xi32, #tpu.memory_space<vmem>>) semaphore(%arg10 : memref<!tpu.dma_semaphore, #tpu.memory_space<semaphore_mem>>)
      %gt3A_86 = arith.constant 0 : i32
      %gt3A_87 = arith.cmpi sgt, %scan3A_67, %gt3A_86 : i32
      %convert_element_type3A_88 = arith.extui %gt3A_87 : i1 to i32
      %cond3A_89 = arith.constant 0 : i32
      %cond3A_90 = arith.cmpi ne, %convert_element_type3A_88, %cond3A_89 : i32
      scf.if %cond3A_90 {
        %sub3A_150 = arith.constant 1 : i32
        %sub3A_151 = arith.subi %add3A_70, %sub3A_150 : i32
        %dma_wait3A_152 = arith.constant 1 : i32
        %dma_wait3A_153 = arith.constant 0 : i32
        %dma_wait3A_154 = tpu.memref_slice %arg9[%dma_wait3A_152, %dma_wait3A_153] : memref<77x512xf32, #tpu.memory_space<vmem>> -> memref<76x512xf32, #tpu.memory_space<vmem>>
        %dma_wait3A_155 = arith.constant 1 : i32
        %dma_wait3A_156 = arith.constant 0 : i32
        %dma_wait3A_157 = tpu.memref_slice %arg5[%sub3A_151, %dma_wait3A_155, %dma_wait3A_156] : memref<1024x77x512xf32, #tpu.memory_space<hbm>> -> memref<1x76x512xf32, #tpu.memory_space<hbm>>
        %dma_wait3A_158 = tpu.memref_squeeze %dma_wait3A_157 : memref<1x76x512xf32, #tpu.memory_space<hbm>> -> memref<76x512xf32, #tpu.memory_space<hbm>>
        %dma_wait3A_159 = arith.constant 1 : i32
        %dma_wait3A_160 = arith.constant 0 : i32
        %dma_wait3A_161 = tpu.memref_slice %arg5[%sub3A_151, %dma_wait3A_159, %dma_wait3A_160] : memref<1024x77x512xf32, #tpu.memory_space<hbm>> -> memref<1x76x512xf32, #tpu.memory_space<hbm>>
        %dma_wait3A_162 = tpu.memref_squeeze %dma_wait3A_161 : memref<1x76x512xf32, #tpu.memory_space<hbm>> -> memref<76x512xf32, #tpu.memory_space<hbm>>
        %dma_wait3A_163 = arith.constant 1 : i32
        %dma_wait3A_164 = arith.constant 0 : i32
        %dma_wait3A_165 = tpu.memref_slice %arg9[%dma_wait3A_163, %dma_wait3A_164] : memref<77x512xf32, #tpu.memory_space<vmem>> -> memref<76x512xf32, #tpu.memory_space<vmem>>
        tpu.wait_dma2 semaphore(%arg13 : memref<!tpu.dma_semaphore, #tpu.memory_space<semaphore_mem>>) src(%dma_wait3A_165 : memref<76x512xf32, #tpu.memory_space<vmem>>) dst(%dma_wait3A_162 : memref<76x512xf32, #tpu.memory_space<hbm>>)
      } else {
      }
      %mul3A_91 = arith.constant 2 : i32
      %mul3A_92 = arith.muli %mul3A_91, %scan3A_67 : i32
      %add3A_93 = arith.constant 1 : i32
      %add3A_94 = arith.addi %mul3A_92, %add3A_93 : i32
      %mul3A_95 = arith.constant 64 : i32
      %mul3A_96 = arith.muli %add3A_94, %mul3A_95 : i32
      %add3A_97 = arith.constant 32 : i32
      %add3A_98 = arith.addi %add3A_97, %mul3A_96 : i32
      %dma_start3A_99 = arith.constant 17 : i32
      %dma_start3A_100 = arith.constant 0 : i32
      %dma_start3A_101 = tpu.memref_slice %arg9[%dma_start3A_99, %dma_start3A_100] : memref<77x512xf32, #tpu.memory_space<vmem>> -> memref<60x512xf32, #tpu.memory_space<vmem>>
      %dma_start3A_102 = tpu.memref_slice %arg6[%add3A_98] : memref<2080xi32, #tpu.memory_space<vmem>> -> memref<60xi32, #tpu.memory_space<vmem>>
      %dma_start3A_103 = arith.constant 0 : i32
      %dma_start3A_104 = arith.constant 0 : i32
      %dma_start3A_105 = tpu.memref_slice %arg4[%dma_start3A_103, %dma_start3A_104] : memref<49408x512xf32, #tpu.memory_space<hbm>> -> memref<49408x512xf32, #tpu.memory_space<hbm>>
      tpu.enqueue_indirect_dma source(%dma_start3A_105 : memref<49408x512xf32, #tpu.memory_space<hbm>>) target(%dma_start3A_101 : memref<60x512xf32, #tpu.memory_space<vmem>>) offsets(%dma_start3A_102 : memref<60xi32, #tpu.memory_space<vmem>>) semaphore(%arg11 : memref<!tpu.dma_semaphore, #tpu.memory_space<semaphore_mem>>)
      %dma_wait3A_106 = arith.constant 17 : i32
      %dma_wait3A_107 = arith.constant 0 : i32
      %dma_wait3A_108 = tpu.memref_slice %arg8[%dma_wait3A_106, %dma_wait3A_107] : memref<77x512xf32, #tpu.memory_space<vmem>> -> memref<60x512xf32, #tpu.memory_space<vmem>>
      %dma_wait3A_109 = tpu.memref_slice %arg6[%add3A_78] : memref<2080xi32, #tpu.memory_space<vmem>> -> memref<60xi32, #tpu.memory_space<vmem>>
      %dma_wait3A_110 = arith.constant 0 : i32
      %dma_wait3A_111 = arith.constant 0 : i32
      %dma_wait3A_112 = tpu.memref_slice %arg4[%dma_wait3A_110, %dma_wait3A_111] : memref<49408x512xf32, #tpu.memory_space<hbm>> -> memref<49408x512xf32, #tpu.memory_space<hbm>>
      tpu.wait_indirect_dma semaphore(%arg10 : memref<!tpu.dma_semaphore, #tpu.memory_space<semaphore_mem>>) src(%dma_wait3A_112 : memref<49408x512xf32, #tpu.memory_space<hbm>>) dst(%dma_wait3A_108 : memref<60x512xf32, #tpu.memory_space<vmem>>)
      %dma_start3A_113 = arith.constant 1 : i32
      %dma_start3A_114 = arith.constant 0 : i32
      %dma_start3A_115 = tpu.memref_slice %arg8[%dma_start3A_113, %dma_start3A_114] : memref<77x512xf32, #tpu.memory_space<vmem>> -> memref<76x512xf32, #tpu.memory_space<vmem>>
      %dma_start3A_116 = arith.constant 1 : i32
      %dma_start3A_117 = arith.constant 0 : i32
      %dma_start3A_118 = tpu.memref_slice %arg5[%add3A_70, %dma_start3A_116, %dma_start3A_117] : memref<1024x77x512xf32, #tpu.memory_space<hbm>> -> memref<1x76x512xf32, #tpu.memory_space<hbm>>
      %dma_start3A_119 = tpu.memref_squeeze %dma_start3A_118 : memref<1x76x512xf32, #tpu.memory_space<hbm>> -> memref<76x512xf32, #tpu.memory_space<hbm>>
      %dma_start3A_120 = arith.constant 1 : i32
      %dma_start3A_121 = arith.constant 0 : i32
      %dma_start3A_122 = tpu.memref_slice %arg5[%add3A_70, %dma_start3A_120, %dma_start3A_121] : memref<1024x77x512xf32, #tpu.memory_space<hbm>> -> memref<1x76x512xf32, #tpu.memory_space<hbm>>
      %dma_start3A_123 = tpu.memref_squeeze %dma_start3A_122 : memref<1x76x512xf32, #tpu.memory_space<hbm>> -> memref<76x512xf32, #tpu.memory_space<hbm>>
      %dma_start3A_124 = arith.constant 1 : i32
      %dma_start3A_125 = arith.constant 0 : i32
      %dma_start3A_126 = tpu.memref_slice %arg8[%dma_start3A_124, %dma_start3A_125] : memref<77x512xf32, #tpu.memory_space<vmem>> -> memref<76x512xf32, #tpu.memory_space<vmem>>
      tpu.enqueue_dma source(%dma_start3A_126 : memref<76x512xf32, #tpu.memory_space<vmem>>) target(%dma_start3A_123 : memref<76x512xf32, #tpu.memory_space<hbm>>) target_semaphore(%arg12 : memref<!tpu.dma_semaphore, #tpu.memory_space<semaphore_mem>>)
      %dma_wait3A_127 = arith.constant 17 : i32
      %dma_wait3A_128 = arith.constant 0 : i32
      %dma_wait3A_129 = tpu.memref_slice %arg9[%dma_wait3A_127, %dma_wait3A_128] : memref<77x512xf32, #tpu.memory_space<vmem>> -> memref<60x512xf32, #tpu.memory_space<vmem>>
      %dma_wait3A_130 = tpu.memref_slice %arg6[%add3A_98] : memref<2080xi32, #tpu.memory_space<vmem>> -> memref<60xi32, #tpu.memory_space<vmem>>
      %dma_wait3A_131 = arith.constant 0 : i32
      %dma_wait3A_132 = arith.constant 0 : i32
      %dma_wait3A_133 = tpu.memref_slice %arg4[%dma_wait3A_131, %dma_wait3A_132] : memref<49408x512xf32, #tpu.memory_space<hbm>> -> memref<49408x512xf32, #tpu.memory_space<hbm>>
      tpu.wait_indirect_dma semaphore(%arg11 : memref<!tpu.dma_semaphore, #tpu.memory_space<semaphore_mem>>) src(%dma_wait3A_133 : memref<49408x512xf32, #tpu.memory_space<hbm>>) dst(%dma_wait3A_129 : memref<60x512xf32, #tpu.memory_space<vmem>>)
      %add3A_134 = arith.constant 1 : i32
      %add3A_135 = arith.addi %add3A_70, %add3A_134 : i32
      %dma_start3A_136 = arith.constant 1 : i32
      %dma_start3A_137 = arith.constant 0 : i32
      %dma_start3A_138 = tpu.memref_slice %arg9[%dma_start3A_136, %dma_start3A_137] : memref<77x512xf32, #tpu.memory_space<vmem>> -> memref<76x512xf32, #tpu.memory_space<vmem>>
      %dma_start3A_139 = arith.constant 1 : i32
      %dma_start3A_140 = arith.constant 0 : i32
      %dma_start3A_141 = tpu.memref_slice %arg5[%add3A_135, %dma_start3A_139, %dma_start3A_140] : memref<1024x77x512xf32, #tpu.memory_space<hbm>> -> memref<1x76x512xf32, #tpu.memory_space<hbm>>
      %dma_start3A_142 = tpu.memref_squeeze %dma_start3A_141 : memref<1x76x512xf32, #tpu.memory_space<hbm>> -> memref<76x512xf32, #tpu.memory_space<hbm>>
      %dma_start3A_143 = arith.constant 1 : i32
      %dma_start3A_144 = arith.constant 0 : i32
      %dma_start3A_145 = tpu.memref_slice %arg5[%add3A_135, %dma_start3A_143, %dma_start3A_144] : memref<1024x77x512xf32, #tpu.memory_space<hbm>> -> memref<1x76x512xf32, #tpu.memory_space<hbm>>
      %dma_start3A_146 = tpu.memref_squeeze %dma_start3A_145 : memref<1x76x512xf32, #tpu.memory_space<hbm>> -> memref<76x512xf32, #tpu.memory_space<hbm>>
      %dma_start3A_147 = arith.constant 1 : i32
      %dma_start3A_148 = arith.constant 0 : i32
      %dma_start3A_149 = tpu.memref_slice %arg9[%dma_start3A_147, %dma_start3A_148] : memref<77x512xf32, #tpu.memory_space<vmem>> -> memref<76x512xf32, #tpu.memory_space<vmem>>
      tpu.enqueue_dma source(%dma_start3A_149 : memref<76x512xf32, #tpu.memory_space<vmem>>) target(%dma_start3A_146 : memref<76x512xf32, #tpu.memory_space<hbm>>) target_semaphore(%arg13 : memref<!tpu.dma_semaphore, #tpu.memory_space<semaphore_mem>>)
    }
    %scan3A_24 = arith.constant 16 : i32
    %add3A_25 = arith.constant 32 : i32
    %add3A_26 = arith.addi %mul3A_2, %add3A_25 : i32
    %sub3A = arith.constant 2 : i32
    %sub3A_27 = arith.subi %add3A_26, %sub3A : i32
    %dma_wait3A_28 = arith.constant 1 : i32
    %dma_wait3A_29 = arith.constant 0 : i32
    %dma_wait3A_30 = tpu.memref_slice %arg8[%dma_wait3A_28, %dma_wait3A_29] : memref<77x512xf32, #tpu.memory_space<vmem>> -> memref<76x512xf32, #tpu.memory_space<vmem>>
    %dma_wait3A_31 = arith.constant 1 : i32
    %dma_wait3A_32 = arith.constant 0 : i32
    %dma_wait3A_33 = tpu.memref_slice %arg5[%sub3A_27, %dma_wait3A_31, %dma_wait3A_32] : memref<1024x77x512xf32, #tpu.memory_space<hbm>> -> memref<1x76x512xf32, #tpu.memory_space<hbm>>
    %dma_wait3A_34 = tpu.memref_squeeze %dma_wait3A_33 : memref<1x76x512xf32, #tpu.memory_space<hbm>> -> memref<76x512xf32, #tpu.memory_space<hbm>>
    %dma_wait3A_35 = arith.constant 1 : i32
    %dma_wait3A_36 = arith.constant 0 : i32
    %dma_wait3A_37 = tpu.memref_slice %arg5[%sub3A_27, %dma_wait3A_35, %dma_wait3A_36] : memref<1024x77x512xf32, #tpu.memory_space<hbm>> -> memref<1x76x512xf32, #tpu.memory_space<hbm>>
    %dma_wait3A_38 = tpu.memref_squeeze %dma_wait3A_37 : memref<1x76x512xf32, #tpu.memory_space<hbm>> -> memref<76x512xf32, #tpu.memory_space<hbm>>
    %dma_wait3A_39 = arith.constant 1 : i32
    %dma_wait3A_40 = arith.constant 0 : i32
    %dma_wait3A_41 = tpu.memref_slice %arg8[%dma_wait3A_39, %dma_wait3A_40] : memref<77x512xf32, #tpu.memory_space<vmem>> -> memref<76x512xf32, #tpu.memory_space<vmem>>
    tpu.wait_dma2 semaphore(%arg12 : memref<!tpu.dma_semaphore, #tpu.memory_space<semaphore_mem>>) src(%dma_wait3A_41 : memref<76x512xf32, #tpu.memory_space<vmem>>) dst(%dma_wait3A_38 : memref<76x512xf32, #tpu.memory_space<hbm>>)
    %add3A_42 = arith.constant 32 : i32
    %add3A_43 = arith.addi %mul3A_2, %add3A_42 : i32
    %sub3A_44 = arith.constant 1 : i32
    %sub3A_45 = arith.subi %add3A_43, %sub3A_44 : i32
    %dma_wait3A_46 = arith.constant 1 : i32
    %dma_wait3A_47 = arith.constant 0 : i32
    %dma_wait3A_48 = tpu.memref_slice %arg9[%dma_wait3A_46, %dma_wait3A_47] : memref<77x512xf32, #tpu.memory_space<vmem>> -> memref<76x512xf32, #tpu.memory_space<vmem>>
    %dma_wait3A_49 = arith.constant 1 : i32
    %dma_wait3A_50 = arith.constant 0 : i32
    %dma_wait3A_51 = tpu.memref_slice %arg5[%sub3A_45, %dma_wait3A_49, %dma_wait3A_50] : memref<1024x77x512xf32, #tpu.memory_space<hbm>> -> memref<1x76x512xf32, #tpu.memory_space<hbm>>
    %dma_wait3A_52 = tpu.memref_squeeze %dma_wait3A_51 : memref<1x76x512xf32, #tpu.memory_space<hbm>> -> memref<76x512xf32, #tpu.memory_space<hbm>>
    %dma_wait3A_53 = arith.constant 1 : i32
    %dma_wait3A_54 = arith.constant 0 : i32
    %dma_wait3A_55 = tpu.memref_slice %arg5[%sub3A_45, %dma_wait3A_53, %dma_wait3A_54] : memref<1024x77x512xf32, #tpu.memory_space<hbm>> -> memref<1x76x512xf32, #tpu.memory_space<hbm>>
    %dma_wait3A_56 = tpu.memref_squeeze %dma_wait3A_55 : memref<1x76x512xf32, #tpu.memory_space<hbm>> -> memref<76x512xf32, #tpu.memory_space<hbm>>
    %dma_wait3A_57 = arith.constant 1 : i32
    %dma_wait3A_58 = arith.constant 0 : i32
    %dma_wait3A_59 = tpu.memref_slice %arg9[%dma_wait3A_57, %dma_wait3A_58] : memref<77x512xf32, #tpu.memory_space<vmem>> -> memref<76x512xf32, #tpu.memory_space<vmem>>
    tpu.wait_dma2 semaphore(%arg13 : memref<!tpu.dma_semaphore, #tpu.memory_space<semaphore_mem>>) src(%dma_wait3A_59 : memref<76x512xf32, #tpu.memory_space<vmem>>) dst(%dma_wait3A_56 : memref<76x512xf32, #tpu.memory_space<hbm>>)
    %dma_wait3A_60 = arith.constant 0 : i32
    %dma_wait3A_61 = arith.constant 0 : i32
    %dma_wait3A_62 = tpu.memref_slice %arg5[%mul3A_2, %dma_wait3A_60, %dma_wait3A_61] : memref<1024x77x512xf32, #tpu.memory_space<hbm>> -> memref<32x1x512xf32, #tpu.memory_space<hbm>>
    %dma_wait3A_63 = tpu.memref_squeeze %dma_wait3A_62 : memref<32x1x512xf32, #tpu.memory_space<hbm>> -> memref<32x512xf32, #tpu.memory_space<hbm>>
    %dma_wait3A_64 = arith.constant 0 : i32
    %dma_wait3A_65 = tpu.memref_slice %arg5[%mul3A_2, %dma_wait3A_60, %dma_wait3A_64] : memref<1024x77x512xf32, #tpu.memory_space<hbm>> -> memref<32x1x512xf32, #tpu.memory_space<hbm>>
    %dma_wait3A_66 = tpu.memref_squeeze %dma_wait3A_65 : memref<32x1x512xf32, #tpu.memory_space<hbm>> -> memref<32x512xf32, #tpu.memory_space<hbm>>
    tpu.wait_dma2 semaphore(%arg14 : memref<!tpu.dma_semaphore, #tpu.memory_space<semaphore_mem>>) src(%arg7 : memref<32x512xf32, #tpu.memory_space<vmem>>) dst(%dma_wait3A_66 : memref<32x512xf32, #tpu.memory_space<hbm>>)
    return
  }
}

</mosaic_0001>

<sc_bundles>
// kernel: _run.3.cloned.1.call-start
scs
__scs_entry_jumppad:
0x0: {  	(pc) =	sbr.rel $0x88, $3  }
0x1: {  	(tag) =	ssettag $0x0;
	lr =	simm.s32 $0x1  }
0x2: {  	[smem:$0x3F9E] =	sst lr;
	_ =	strace $0xD0000000  }
0x3: {  	_ = 	snop  }
0x4: {  	_ = 	snop  }
0x5: {  	_ = 	snop  }
0x6: {  	_ = 	snop  }
0x7: {  	_ = 	snop  }
__scs_overlays_trampoline_lowered:
0x8: {  	[smem:$0x3FAD] =	sst s0  }
0x9: {  	[smem:$0x3FAE] =	sst s1  }
0xa: {  	[smem:$0x3FAF] =	sst s2  }
0xb: {  	[smem:$0x3FB0] =	sst s3  }
0xc: {  	[smem:$0x3FB1] =	sst s4  }
0xd: {  	[smem:$0x3FB2] =	sst s5  }
0xe: {  	[smem:$0x3FB3] =	sst s6  }
0xf: {  	[smem:$0x3FB4] =	sst s7  }
0x10: {  	[smem:$0x3FB5] =	sst s8  }
0x11: {  	[smem:$0x3FB6] =	sst s9;
	s0 =	simm.s32 @!p0 $0x0  }
0x12: {  	s1 =	sld [smem:$0x3F9C];
	s0 =	simm.s32 @p0 $0x1  }
0x13: {  	[smem:$0x3FB7] =	sst s0;
	s0 =	simm.s32 @!p1 $0x0  }
0x14: {  	s2 =	sld [smem:$0x3F9B];
	s0 =	simm.s32 @p1 $0x1  }
0x15: {  	[smem:$0x3FB8] =	sst s0;
	s0 =	simm.s32 @!p2 $0x0  }
0x16: {  	s3 =	sld [smem:$0x3FDB];
	s0 =	simm.s32 @p2 $0x1  }
0x17: {  	s4 =	simm.s32 $0x1BF5;
	[smem:$0x3FBA] =	sst s0  }
0x18: {  	s0 =	sld [smem:$0x3F9D];
	_ =	swait.ge [sflag:s4], $0x0  }
0x19: {  	s7 =	sld [smem:$0x3F9E]  }
0x1a: {  	s8 =	sadd.s32 $0xFFFFE003, lr  }
0x1b: {  	s9 =	sadd.s32 $0xFFFFFEF7, lr;
	s5 =	simm.s32 $0xFFFFFFFF;
	p2 =	slt.u32 s8, $0xFFFFF086  }
0x1c: {  	p1 =	slt.u32 s9, $0xF7A;
	s5 =	simm.s32 @!p2 $0x0  }
0x1d: {  	s5 =	simm.s32 @p1 $0x1;
	p0 =	seq.s32 s7, s2  }
0x1e: {  	s7 =	smul.u32 @!p0 $0xF7A, s2;
	p2 =	seq.s32 @!p0 s5, $0x0  }
0x1f: {  	s9 =	smul.u32 $0xF7A, s1;
	s8 =	simm.s32 @!p0 $0x1BF5;
	p2 =	por !p2, p0  }
0x20: {  	[sflag:s8] =	ssyncset.s32 @!p0 $0xFFFFF086;
	s6 =	sadd.s32 @!p0 s3, s7;
	s7 =	simm.s32 @!p0 $0x108  }
0x21: {  	s3 =	sadd.s32 s3, s9;
	s6 =	sadd.s32 @!p0 $0x88, s6;
	s7 =	simm.s32 @p2 $0x1082  }
0x22: {  	[simem:s7], [sflag:s8] =	dma.local @!p0 [hbm:s6], $0xF7A  }
0x23: {  	s9 =	sor.u32 $0xD0000000, s2;
	s6 =	simm.s32 $0x108;
	_ =	swait.ge @!p0 [sflag:s8], $0x0  }
0x24: {  	s3 =	sadd.s32 $0x88, s3;
	s6 =	simm.s32 @!p1 $0x1082;
	[sflag:s4] =	ssyncset.s32 $0xFFFFF086  }
0x25: {  	[simem:s6], [sflag:s4] =	dma.local [hbm:s3], $0xF7A  }
0x26: {  	[smem:$0x3F9E] =	sst s1;
	(tag) =	ssettag s2;
	_ =	strace s9  }
0x27: {  	s1 =	sld [smem:$0x3FAE]  }
0x28: {  	s2 =	sld [smem:$0x3FAF]  }
0x29: {  	s4 =	sld [smem:$0x3FB1]  }
0x2a: {  	p0 =	seq.s32 s5, $0x0;
	s5 =	sld [smem:$0x3FB2]  }
0x2b: {  	s6 =	sld [smem:$0x3FB3]  }
0x2c: {  	s7 =	sld [smem:$0x3FB4]  }
0x2d: {  	s3 =	simm.s32 $0x108;
	s8 =	sld [smem:$0x3FB5]  }
0x2e: {  	s3 =	simm.s32 @!p0 $0x1082;
	s9 =	sld [smem:$0x3FB6]  }
0x2f: {  	lr =	sadd.s32 s0, s3;
	s0 =	sld [smem:$0x3FAD]  }
0x30: {  	s3 =	sld [smem:$0x3FB0]  }
0x31: {  	[smem:$0x3FB9] =	sst s10  }
0x32: {  	s10 =	sld [smem:$0x3FB7];
	_ =	sdelay $0x3  }
0x33: {  	p0 =	seq.s32 s10, $0x1;
	s10 =	sld [smem:$0x3FB9];
	_ =	sdelay $0x3  }
0x34: {  	[smem:$0x3FB9] =	sst s10  }
0x35: {  	s10 =	sld [smem:$0x3FB8];
	_ =	sdelay $0x3  }
0x36: {  	p1 =	seq.s32 s10, $0x1;
	s10 =	sld [smem:$0x3FB9];
	_ =	sdelay $0x3  }
0x37: {  	[smem:$0x3FB9] =	sst s10  }
0x38: {  	s10 =	sld [smem:$0x3FBA]  }
0x39: {  	_ = 	snop;
	(pc) =	sbr.ind lr, $3  }
0x3a: {  	_ = 	snop  }
0x3b: {  	_ = 	snop  }
0x3c: {  	p2 =	seq.s32 s10, $0x1;
	s10 =	sld [smem:$0x3FB9]  }
0x3d: {  	_ =	shalt  }
0x3e: {  	_ =	shalt  }
0x3f: {  	_ =	shalt  }
0x40: {  	_ =	shalt  }
0x41: {  	_ =	shalt  }
0x42: {  	_ =	shalt  }
0x43: {  	_ =	shalt  }
0x44: {  	_ =	shalt  }
0x45: {  	_ =	shalt  }
0x46: {  	_ =	shalt  }
0x47: {  	_ =	shalt  }
0x48: {  	_ =	shalt  }
0x49: {  	_ =	shalt  }
0x4a: {  	_ =	shalt  }
0x4b: {  	_ =	shalt  }
0x4c: {  	_ =	shalt  }
0x4d: {  	_ =	shalt  }
0x4e: {  	_ =	shalt  }
0x4f: {  	_ =	shalt  }
0x50: {  	_ =	shalt  }
0x51: {  	_ =	shalt  }
0x52: {  	_ =	shalt  }
0x53: {  	_ =	shalt  }
0x54: {  	_ =	shalt  }
0x55: {  	_ =	shalt  }
0x56: {  	_ =	shalt  }
0x57: {  	_ =	shalt  }
0x58: {  	_ =	shalt  }
0x59: {  	_ =	shalt  }
0x5a: {  	_ =	shalt  }
0x5b: {  	_ =	shalt  }
0x5c: {  	_ =	shalt  }
0x5d: {  	_ =	shalt  }
0x5e: {  	_ =	shalt  }
0x5f: {  	_ =	shalt  }
0x60: {  	_ =	shalt  }
0x61: {  	_ =	shalt  }
0x62: {  	_ =	shalt  }
0x63: {  	_ =	shalt  }
0x64: {  	_ =	shalt  }
0x65: {  	_ =	shalt  }
0x66: {  	_ =	shalt  }
0x67: {  	_ =	shalt  }
0x68: {  	_ =	shalt  }
0x69: {  	_ =	shalt  }
0x6a: {  	_ =	shalt  }
0x6b: {  	_ =	shalt  }
0x6c: {  	_ =	shalt  }
0x6d: {  	_ =	shalt  }
0x6e: {  	_ =	shalt  }
0x6f: {  	_ =	shalt  }
0x70: {  	_ =	shalt  }
0x71: {  	_ =	shalt  }
0x72: {  	_ =	shalt  }
0x73: {  	_ =	shalt  }
0x74: {  	_ =	shalt  }
0x75: {  	_ =	shalt  }
0x76: {  	_ =	shalt  }
0x77: {  	_ =	shalt  }
0x78: {  	_ =	shalt  }
0x79: {  	_ =	shalt  }
0x7a: {  	_ =	shalt  }
0x7b: {  	_ =	shalt  }
0x7c: {  	_ =	shalt  }
0x7d: {  	_ =	shalt  }
0x7e: {  	_ =	shalt  }
0x7f: {  	_ =	shalt  }
0x80: {  	_ =	shalt  }
0x81: {  	_ =	shalt  }
0x82: {  	_ =	shalt  }
0x83: {  	_ =	shalt  }
0x84: {  	_ =	shalt  }
0x85: {  	_ =	shalt  }
0x86: {  	_ =	shalt  }
0x87: {  	_ =	shalt  }
.Lfunc_end0:
.L_simem_size_0:
called_computation.2_lowered:
.L_overlay_start_0:
0x88: {  	s2 =	sld [smem:$0x3FD9]  }
0x89: {  	s3 =	sld [smem:$0x3FFE];
	_ =	sdelay $0x1  }
0x8a: {  	s1 =	srdreg.scid  }
0x8b: {  	s0 =	sand.u32 $0x1, s1  }
0x8c: {  	s17 =	sshll.u32 s0, $0xA;
	s2 =	sadd.s32 s3, s2  }
0x8d: {  	s2 =	sadd.s32 s2, s17  }
0x8e: {  	[smem:$0x3FC5] =	sst s2  }
0x8f: {  	_ = 	snop  }
0x90: {  	s2 =	sld [smem:$0x3FC9]  }
0x91: {  	s18 =	sld [smem:$0x3FD0];
	(tm) =	ssettm $0x1  }
0x92: {  	s4 =	sld [smem:$0x3FFB];
	_ =	sdelay $0x3  }
0x93: {  	_ =	strace s4  }
0x94: {  	s4 =	sld [smem:$0x3FFC];
	_ =	sdelay $0x3  }
0x95: {  	_ =	strace s4  }
0x96: {  	s4 =	sld [smem:$0x3FFD];
	_ =	sdelay $0x3  }
0x97: {  	_ =	strace s4  }
0x98: {  	_ =	strace $0x8FFFFFFF  }
0x99: {  	s19 =	sld [smem:$0x3FDB];
	_ =	sdelay $0x1  }
0x9a: {  	s5 =	simm.s32 $_scs_section_size  }
0x9b: {  	s6 =	simm.s32 $_size__tile_overlayer_lowered;
	s7 =	simm.s32 $_tile_overlayer_lowered  }
0x9c: {  	s22 =	simm.s32 $0x1BFF;
	s21 =	sshll.u32 s7, $0x1;
	s4 =	sadd.s32 s5, s19  }
0x9d: {  	s8 =	simm.s32 $0x0;
	s20 =	sshll.u32 s6, $0x1;
	s6 =	sadd.s32 s21, s4  }
0x9e: {  	[timem:s8], [sflag:s22] =	dma.local [hbm:s6], s20  }
0x9f: {  	_ =	swait.ge [sflag:s22], s20  }
0xa0: {  	s5 =	ssub.s32 $0x0, s20;
	[sflag:s22] =	ssyncset.done $0x0  }
0xa1: {  	[sflag:s22] =	ssyncadd.s32 s5;
	_ =	sdelay $0x1  }
0xa2: {  	s23 =	simm.s32 $0x1B8B  }
0xa3: {  	_ =	swait.ge [sflag:s23], $0x1  }
0xa4: {  	[sflag:s23] =	ssyncset.done $0x0  }
0xa5: {  	s25 =	simm.s32 $0x1B8E;
	s24 =	sld [smem:$0x3FFE];
	[sflag:s23] =	ssyncadd.s32 $0xFFFFFFFF  }
0xa6: {  	s26 =	simm.s32 $execute0_lowered;
	[smem:$0x3FD2] =	sst s25  }
0xa7: {  	s6 =	sshll.u32 s26, $0x1;
	_ =	strace $0x80000049;
	[dreg:$0x1] =	wrdreg $0xFFFFFFFF  }
0xa8: {  	s28 =	simm.s32 $_size_execute0_lowered;
	s4 =	sadd.s32 s4, s6;
	[dreg:$0x0] =	wrdreg $0x0  }
0xa9: {  	s6 =	sshll.u32 s28, $0x1;
	[dreg:$0x2] =	wrdreg s4  }
0xaa: {  	[dreg:$0x3] =	wrdreg s6  }
0xab: {  	[dreg:$0x4] =	wrdreg $0xC0  }
0xac: {  	_ =	task [dreg:s8], $0x5FFFF  }
0xad: {  	[dreg:$0x1] =	wrdreg $0xFFFFFFFF  }
0xae: {  	[dreg:$0x0] =	wrdreg $0x60  }
0xaf: {  	[dreg:$0x2] =	wrdreg s2  }
0xb0: {  	[dreg:$0x3] =	wrdreg s24  }
0xb1: {  	[dreg:$0x4] =	wrdreg s18  }
0xb2: {  	[dreg:$0x5] =	wrdreg $0x9  }
0xb3: {  	_ =	task.clear_ibuf [dreg:s8], $0x6FFFF;
	_ =	strace $0x90000049  }
0xb4: {  	s29 =	simm.s32 $0x9;
	_ =	strace $0x8000004B  }
0xb5: {  	_ =	swait.ge [sflag:s29], $0x1  }
0xb6: {  	[sflag:s29] =	ssyncadd.s32 $0xFFFFFFFF  }
0xb7: {  	_ =	strace $0x9000004B  }
0xb8: {  	_ =	sfence  }
0xb9: {  	s30 =	sld [smem:$0x0];
	_ =	sdelay $0x2  }
0xba: {  	s31 =	sshll.u32 s1, $0xD;
	s1 =	sshrl.u32 s1, $0x2  }
0xbb: {  	s3 =	sand.u32 $0x4000, s31;
	s1 =	sadd.s32 s1, s30  }
0xbc: {  	s0 =	sor.u32 s3, s0;
	s1 =	sshll.u32 s1, $0x11  }
0xbd: {  	s0 =	sor.u32 s1, s0  }
0xbe: {  	s0 =	sadd.s32 $0x8F2B, s0  }
0xbf: {  	[sflag:s0] =	ssyncadd.remote.s32 $0x1  }
0xc0: {  	_ =	sfence.sel $0xFFFF  }
0xc1: {  	[dreg:$0x0] =	wrdreg $0xFFFFFFFF;
	(pc) =	sbr.abs _section_cstart, $3  }
0xc2: {  	[dreg:$0x1] =	wrdreg $0xFFFFFFFF  }
0xc3: {  	_ =	task.clear_ibuf [dreg:s8], $0x2FFFF;
	_ =	strace $0x9FFFFFFF  }
0xc4: {  	(tm) =	ssettm $0x7FFFFFFF  }
0xc5: {  	_ =	shalt  }
tec
execute0_lowered:
.L_overlay_start_1:
0x0: {  	(tag) =	ssettag $0x1  }
0x1: {  	s0 =	rddreg [dreg:$0x0]  }
0x2: {  	s4 =	rddreg [dreg:$0x1]  }
0x3: {  	s10 =	rddreg [dreg:$0x2]  }
0x4: {  	s3 =	srdreg.scid;
	s1 =	stileid.u32;
	s2 =	simm.s32 $0x0  }
0x5: {  	s14 =	simm.s32 $0x820;
	s15 =	simm.s32 $0x5;
	s16 =	simm.s32 $0x200  }
0x6: {  	s17 =	simm.s32 $0x9A00;
	s18 =	simm.s32 $0x4A20;
	s19 =	simm.s32 $0xE420  }
0x7: {  	s20 =	simm.s32 $0x3C;
	s21 =	simm.s32 $0x6A20;
	s12 =	smul.u32 $0x268000, s1  }
0x8: {  	s28 =	simm.s32 $0x4;
	s9 =	sand.u32 $0x1, s3;
	s25 =	smul.u32 $0x4D000, s1  }
0x9: {  	s29 =	simm.s32 $0x0;
	s22 =	sshll.u32 s1, $0x1;
	s23 =	smul.u32 $0x134000, s9  }
0xa: {  	[smem:$0x7FF] =	sst s2;
	s8 =	sor.u32 s9, s22;
	s13 =	smul.u32 $0x26800, s9  }
0xb: {  	s3 =	sadd.s32 $0x304E00, s4;
	s4 =	sadd.s32 $0xE00, s4;
	s5 =	smul.u32 $0x104, s8  }
0xc: {  	_ =	strace $0x8000004A;
	s6 =	ssub.s32 $0x2, s9;
	s7 =	smul.u32 $0x26800, s8  }
0xd: {  	s22 =	simm.s32 $0x60;
	s11 =	sshrl.u32 s6, $0x1;
	s24 =	smul.u32 $0x134000, s8  }
0xe: {  	s30 =	sadd.s32 s25, s10;
	s25 =	simm.s32 $0x2;
	s11 =	ssub.s32 s6, s11  }
0xf: {  	s31 =	sadd.s32 s13, s30;
	s13 =	simm.s32 $0x20;
	s5 =	sadd.s32 s0, s5  }
0x10: {  	s6 =	sadd.s32 s10, s7;
	s7 =	smax.u32 s11, $0x1;
	s0 =	sadd.s32 s23, s12  }
0x11: {  	s11 =	sshrl.u32 s24, $0x3;
	s12 =	simm.s32 $0x6;
	s23 =	simm.s32 $0x10420  }
0x12: {  	s24 =	simm.s32 $0x1;
	s8 =	sadd.s32 $0x40, s6;
	s0 =	sadd.s32 $0x1D000, s0  }
0x13: {  	s26 =	sadd.s32 s10, s11;
	s11 =	sadd.s32 $0x26C0, s31;
	s0 =	sshrl.u32 s0, $0x3  }
0x14: {  	s9 =	sadd.s32 $0x1380, s26;
	s26 =	simm.s32 $0x3;
	s10 =	sadd.s32 s0, s10  }
.LBB2_1:
0x15: {  	[tilespmem:s2], [sflag:$0x6] =	stream.linear.gather [hbm4b:s5+s2], $0x820, $0x38;
	[tilespmem:$0x17C20] =	vst v63  }
0x16: {  	_ =	swait.ge [sflag:s12], $0x820  }
0x17: {  	[sflag:s12] =	ssyncset.done $0x0  }
0x18: {  	[sflag:s12] =	ssyncadd.s32 $0xFFFFF7E0  }
0x19: {  	[tilespmem:s14], [sflag:$0x5] =	stream.indirect.gather [hbm4b:s4+s13], $0x200, s2, s13, $0xb8;
	[tilespmem:$0x17C20] =	vst v63  }
0x1a: {  	_ =	swait.ge [sflag:s15], $0x4000  }
0x1b: {  	[sflag:s15] =	ssyncset.done $0x0  }
0x1c: {  	[sflag:s15] =	ssyncadd.s32 $0xFFFFC000  }
0x1d: {  	[hbm4b:s6+s16] =	stream.strided.scatter [tilespmem:s14], [sflag:$0x5], $0x4000, s17, s16, $0x38;
	[tilespmem:$0x17C20] =	vst v63  }
0x1e: {  	_ = 	snop  }
0x1f: {  	[tilespmem:s18], [sflag:$0x6] =	stream.linear.gather [hbm4b:s3+s2], $0x2000, $0x38;
	[tilespmem:$0x17C20] =	vst v63  }
0x20: {  	_ =	swait.ge [sflag:s12], $0x2000  }
0x21: {  	[sflag:s12] =	ssyncset.done $0x0  }
0x22: {  	[sflag:s12] =	ssyncadd.s32 $0xFFFFE000  }
0x23: {  	[tilespmem:s19], [sflag:$0x6] =	stream.linear.gather [hbm4b:s3+s2], $0x2000, $0x38;
	[tilespmem:$0x17C20] =	vst v63  }
0x24: {  	_ =	swait.ge [sflag:s12], $0x2000  }
0x25: {  	[sflag:s12] =	ssyncset.done $0x0  }
0x26: {  	[sflag:s12] =	ssyncadd.s32 $0xFFFFE000  }
0x27: {  	[tilespmem:s21], [sflag:$0x1] =	stream.indirect.gather [hbm4b:s4+s20], $0x200, s13, s20, $0xb8;
	[tilespmem:$0x17C20] =	vst v63  }
0x28: {  	_ = 	snop  }
0x29: {  	[tilespmem:s23], [sflag:$0x2] =	stream.indirect.gather [hbm4b:s4+s20], $0x200, s22, s20, $0xb8;
	[tilespmem:$0x17C20] =	vst v63  }
0x2a: {  	_ =	swait.ge [sflag:s24], $0x7800  }
0x2b: {  	[sflag:s24] =	ssyncset.done $0x0  }
0x2c: {  	[sflag:s24] =	ssyncadd.s32 $0xFFFF8800  }
0x2d: {  	[hbm4b:s8+s2] =	stream.linear.scatter [tilespmem:s18], [sflag:$0x3], $0x9800, $0x38;
	[tilespmem:$0x17C20] =	vst v63  }
0x2e: {  	_ =	swait.ge [sflag:s25], $0x7800  }
0x2f: {  	[sflag:s25] =	ssyncset.done $0x0  }
0x30: {  	[sflag:s25] =	ssyncadd.s32 $0xFFFF8800  }
0x31: {  	[hbm4b:s9+s2] =	stream.linear.scatter [tilespmem:s19], [sflag:$0x4], $0x9800, $0x38;
	[tilespmem:$0x17C20] =	vst v63  }
0x32: {  	_ =	swait.ge [sflag:s26], $0x9800  }
0x33: {  	[sflag:s26] =	ssyncset.done $0x0  }
0x34: {  	s0 =	simm.s32 $0xA0;
	[sflag:s26] =	ssyncadd.s32 $0xFFFF6800  }
0x35: {  	[tilespmem:s21], [sflag:$0x1] =	stream.indirect.gather [hbm4b:s4+s20], $0x200, s0, s20, $0xb8;
	[tilespmem:$0x17C20] =	vst v63  }
0x36: {  	_ =	swait.ge [sflag:s28], $0x9800  }
0x37: {  	[sflag:s28] =	ssyncset.done $0x0  }
0x38: {  	s1 =	simm.s32 $0xE0;
	[sflag:s28] =	ssyncadd.s32 $0xFFFF6800  }
0x39: {  	[tilespmem:s23], [sflag:$0x2] =	stream.indirect.gather [hbm4b:s4+s20], $0x200, s1, s20, $0xb8;
	[tilespmem:$0x17C20] =	vst v63  }
0x3a: {  	_ =	swait.ge [sflag:s24], $0x7800  }
0x3b: {  	[sflag:s24] =	ssyncset.done $0x0  }
0x3c: {  	s1 =	sadd.s32 $0x0, s11;
	[sflag:s24] =	ssyncadd.s32 $0xFFFF8800  }
0x3d: {  	[hbm4b:s1+s2] =	stream.linear.scatter [tilespmem:s18], [sflag:$0x3], $0x9800, $0x38;
	[tilespmem:$0x17C20] =	vst v63  }
0x3e: {  	_ =	swait.ge [sflag:s25], $0x7800  }
0x3f: {  	s30 =	simm.s32 $0x2680;
	[sflag:s25] =	ssyncset.done $0x0  }
0x40: {  	s31 =	simm.s32 $0x160;
	s0 =	sadd.s32 $0x0, s10;
	[sflag:s25] =	ssyncadd.s32 $0xFFFF8800  }
.LBB2_2:
0x41: {  	[hbm4b:s0+s2] =	stream.linear.scatter [tilespmem:s19], [sflag:$0x4], $0x9800, $0x38;
	[tilespmem:$0x17C20] =	vst v63  }
0x42: {  	s0 =	smov.u32 s30  }
0x43: {  	p0 =	sne.s32 s30, $0x21B00;
	s30 =	sadd.s32 $0x2680, s30;
	_ =	swait.ge [sflag:s26], $0x9800  }
0x44: {  	[sflag:s26] =	ssyncset.done $0x0  }
0x45: {  	s1 =	sadd.s32 $0xFFFFFFC0, s31;
	[sflag:s26] =	ssyncadd.s32 $0xFFFF6800  }
0x46: {  	[tilespmem:s21], [sflag:$0x1] =	stream.indirect.gather [hbm4b:s4+s20], $0x200, s1, s20, $0xb8;
	[tilespmem:$0x17C20] =	vst v63  }
0x47: {  	_ =	swait.ge [sflag:s28], $0x9800  }
0x48: {  	[sflag:s28] =	ssyncset.done $0x0  }
0x49: {  	[sflag:s28] =	ssyncadd.s32 $0xFFFF6800  }
0x4a: {  	[tilespmem:s23], [sflag:$0x2] =	stream.indirect.gather [hbm4b:s4+s20], $0x200, s31, s20, $0xb8;
	[tilespmem:$0x17C20] =	vst v63  }
0x4b: {  	_ =	swait.ge [sflag:s24], $0x7800  }
0x4c: {  	[sflag:s24] =	ssyncset.done $0x0  }
.Ltmp0:
0x4d: {  	s1 =	sadd.s32 s0, s11;
	[sflag:s24] =	ssyncadd.s32 $0xFFFF8800;
	(pc) =	sbr.rel @p0 .LBB2_2-.Ltmp0, $4  }
0x4e: {  	[hbm4b:s1+s2] =	stream.linear.scatter [tilespmem:s18], [sflag:$0x3], $0x9800, $0x38;
	[tilespmem:$0x17C20] =	vst v63  }
0x4f: {  	_ =	swait.ge [sflag:s25], $0x7800  }
0x50: {  	[sflag:s25] =	ssyncset.done $0x0  }
0x51: {  	s0 =	sadd.s32 s0, s10;
	s31 =	sadd.s32 $0x80, s31;
	[sflag:s25] =	ssyncadd.s32 $0xFFFF8800  }
0x52: {  	[hbm4b:s0+s2] =	stream.linear.scatter [tilespmem:s19], [sflag:$0x4], $0x9800, $0x38;
	[tilespmem:$0x17C20] =	vst v63  }
0x53: {  	_ =	swait.ge [sflag:s26], $0x9800  }
0x54: {  	[sflag:s26] =	ssyncset.done $0x0  }
0x55: {  	s29 =	sadd.s32 $0x1, s29;
	[sflag:s26] =	ssyncadd.s32 $0xFFFF6800  }
0x56: {  	p0 =	sne.s32 s29, s7;
	_ =	swait.ge [sflag:s28], $0x9800  }
.Ltmp1:
0x57: {  	[sflag:s28] =	ssyncset.done $0x0;
	(pc) =	sbr.rel @p0 .LBB2_1-.Ltmp1, $4  }
0x58: {  	[sflag:s28] =	ssyncadd.s32 $0xFFFF6800  }
0x59: {  	_ =	swait.ge [sflag:s15], $0x4000  }
0x5a: {  	[sflag:s15] =	ssyncset.done $0x0  }
0x5b: {  	[sflag:s15] =	ssyncadd.s32 $0xFFFFC000  }
0x5c: {  	_ =	sfence.sel $0x180000  }
0x5d: {  	[bflag:$0x0] =	sbarrier.arrive $0xFFFF  }
0x5e: {  	_ =	strace $0x9000004A  }
0x5f: {  	s0 =	stileid.u32;
	[bflag:$0x2] =	sbarrier.arrive $0xFFFF  }
0x60: {  	p0 =	sne.s32 s0, $0x0;
	s0 =	rddreg [dreg:$0x3]  }
0x61: {  	s0 =	sadd.s32 @!p0 $0x100000, s0  }
0x62: {  	[sflag:s0] =	ssyncadd.tile.s32 @!p0 $0x1;
	_ =	shalt  }
.Lfunc_end2:
_tile_overlayer_lowered:
.L_overlay_start_2:
0x63: {  	(tag) =	ssettag $0x2  }
0x64: {  	s0 =	rddreg [dreg:$0x0];
	s2 =	stileid.u32  }
0x65: {  	s1 =	rddreg [dreg:$0x1];
	p0 =	sne.s32 s2, $0x0  }
0x66: {  	s3 =	rddreg [dreg:$0x2];
	[bflag:$0x3] =	sbarrier.arrive $0xFFFF;
	s2 =	simm.s32 @!p0 $0x1C06  }
0x67: {  	[timem:s3], [sflag:s2] =	dma.local @!p0 [hbm:s0], s1  }
0x68: {  	s0 =	simm.s32 @!p0 $0x6  }
0x69: {  	_ =	swait.ge @!p0 [sflag:s0], s1  }
0x6a: {  	s1 =	ssub.s32 @!p0 $0x0, s1;
	[sflag:s0] =	ssyncset.done @!p0 $0x0  }
0x6b: {  	[sflag:s0] =	ssyncadd.s32 @!p0 s1  }
0x6c: {  	[bflag:$0x3] =	sbarrier.arrive $0xFFFF  }
0x6d: {  	_ =	shalt  }

// kernel: sparse-core-data-format-call.1.cloned.1.call-start
scs
called_computation.1_lowered:
.L_overlay_start_0:
0x0: {  	s2 =	sld [smem:$0x3FD9]  }
0x1: {  	s3 =	sld [smem:$0x3FFE];
	_ =	sdelay $0x1  }
0x2: {  	s1 =	srdreg.scid  }
0x3: {  	s0 =	sand.u32 $0x1, s1  }
0x4: {  	s18 =	sshll.u32 s0, $0xA;
	s2 =	sadd.s32 s3, s2  }
0x5: {  	s2 =	sadd.s32 s2, s18  }
0x6: {  	[smem:$0x3FC5] =	sst s2  }
0x7: {  	_ = 	snop  }
0x8: {  	s2 =	sld [smem:$0x3FC7];
	(tm) =	ssettm $0x1  }
0x9: {  	s19 =	sld [smem:$0x3FFB];
	_ =	sdelay $0x3  }
0xa: {  	_ =	strace s19  }
0xb: {  	s3 =	sld [smem:$0x3FFC];
	_ =	sdelay $0x3  }
0xc: {  	_ =	strace s3  }
0xd: {  	s3 =	sld [smem:$0x3FFD];
	_ =	sdelay $0x3  }
0xe: {  	_ =	strace s3  }
0xf: {  	_ =	strace $0x8FFFFFFF  }
0x10: {  	s20 =	sld [smem:$0x3FDB];
	_ =	sdelay $0x1  }
0x11: {  	s4 =	simm.s32 $_scs_section_size  }
0x12: {  	s5 =	simm.s32 $_size__tile_overlayer_lowered;
	s6 =	simm.s32 $_tile_overlayer_lowered  }
0x13: {  	s23 =	simm.s32 $0x1BFF;
	s22 =	sshll.u32 s6, $0x1;
	s3 =	sadd.s32 s4, s20  }
0x14: {  	s7 =	simm.s32 $0x0;
	s21 =	sshll.u32 s5, $0x1;
	s5 =	sadd.s32 s22, s3  }
0x15: {  	[timem:s7], [sflag:s23] =	dma.local [hbm:s5], s21  }
0x16: {  	_ =	swait.ge [sflag:s23], s21  }
0x17: {  	s4 =	ssub.s32 $0x0, s21;
	[sflag:s23] =	ssyncset.done $0x0  }
0x18: {  	[sflag:s23] =	ssyncadd.s32 s4;
	_ =	sdelay $0x1  }
0x19: {  	s24 =	simm.s32 $0x1B8B  }
0x1a: {  	_ =	swait.ge [sflag:s24], $0x1  }
0x1b: {  	[sflag:s24] =	ssyncset.done $0x0  }
0x1c: {  	s26 =	simm.s32 $0x1B8E;
	s25 =	sld [smem:$0x3FFE];
	[sflag:s24] =	ssyncadd.s32 $0xFFFFFFFF  }
0x1d: {  	s27 =	simm.s32 $execute0_lowered;
	[smem:$0x3FD2] =	sst s26  }
0x1e: {  	s5 =	sshll.u32 s27, $0x1;
	_ =	strace $0x80000046;
	[dreg:$0x1] =	wrdreg $0xFFFFFFFF  }
0x1f: {  	s28 =	simm.s32 $_size_execute0_lowered;
	s3 =	sadd.s32 s3, s5;
	[dreg:$0x0] =	wrdreg $0x0  }
0x20: {  	s5 =	sshll.u32 s28, $0x1;
	[dreg:$0x2] =	wrdreg s3  }
0x21: {  	[dreg:$0x3] =	wrdreg s5  }
0x22: {  	[dreg:$0x4] =	wrdreg $0xC0  }
0x23: {  	_ =	task [dreg:s7], $0x5FFFF  }
0x24: {  	[dreg:$0x1] =	wrdreg $0xFFFFFFFF  }
0x25: {  	[dreg:$0x0] =	wrdreg $0x60  }
0x26: {  	[dreg:$0x2] =	wrdreg s2  }
0x27: {  	[dreg:$0x3] =	wrdreg s25  }
0x28: {  	[dreg:$0x4] =	wrdreg $0x9  }
0x29: {  	_ =	task.clear_ibuf [dreg:s7], $0x5FFFF;
	_ =	strace $0x90000046  }
0x2a: {  	s29 =	simm.s32 $0x9;
	_ =	strace $0x80000048  }
0x2b: {  	_ =	swait.ge [sflag:s29], $0x1  }
0x2c: {  	[sflag:s29] =	ssyncadd.s32 $0xFFFFFFFF  }
0x2d: {  	_ =	strace $0x90000048  }
0x2e: {  	_ =	sfence  }
0x2f: {  	s30 =	sld [smem:$0x0];
	_ =	sdelay $0x2  }
0x30: {  	s31 =	sshll.u32 s1, $0xD;
	s1 =	sshrl.u32 s1, $0x2  }
0x31: {  	s3 =	sand.u32 $0x4000, s31;
	s1 =	sadd.s32 s1, s30  }
0x32: {  	s0 =	sor.u32 s3, s0;
	s1 =	sshll.u32 s1, $0x11  }
0x33: {  	s0 =	sor.u32 s1, s0  }
0x34: {  	s0 =	sadd.s32 $0x8F2B, s0  }
0x35: {  	[sflag:s0] =	ssyncadd.remote.s32 $0x1  }
0x36: {  	_ =	sfence.sel $0xFFFF  }
0x37: {  	[dreg:$0x0] =	wrdreg $0xFFFFFFFF;
	(pc) =	sbr.abs _section_cstart, $3  }
0x38: {  	[dreg:$0x1] =	wrdreg $0xFFFFFFFF  }
0x39: {  	_ =	task.clear_ibuf [dreg:s7], $0x2FFFF;
	_ =	strace $0x9FFFFFFF  }
0x3a: {  	(tm) =	ssettm $0x7FFFFFFF  }
0x3b: {  	_ =	shalt  }
tec
execute0_lowered:
.L_overlay_start_1:
0x0: {  	(tag) =	ssettag $0x1  }
0x1: {  	s0 =	srdreg.scid  }
0x2: {  	s1 =	sshll.u32 s0, $0x4  }
0x3: {  	s2 =	rddreg [dreg:$0x0];
	s0 =	stileid.u32;
	s1 =	sand.u32 $0x10, s1  }
0x4: {  	s4 =	rddreg [dreg:$0x1];
	s7 =	simm.s32 $0x1;
	s1 =	sor.u32 s0, s1  }
0x5: {  	s8 =	simm.s32 $0x2;
	s9 =	simm.s32 $0x0;
	s3 =	sshll.u32 s1, $0x2  }
0x6: {  	s12 =	simm.s32 $0x0;
	s11 =	simm.s32 $0x0;
	s6 =	ssub.s32 $0x1820, s3  }
.Ltmp0:
0x7: {  	s4 =	sadd.s32 $0xE00, s4;
	s5 =	sand.u32 $0x7C, s6;
	(pc) =	sbr.rel .LBB1_1-.Ltmp0, $4  }
0x8: {  	s1 =	rddreg [dreg:$0x2];
	_ =	strace $0x80000047;
	p0 =	sne.s32 s5, $0x0  }
0x9: {  	s6 =	sshrl.u32 s6, $0x7;
	s5 =	simm.s32 $0x1;
	s7 =	simm.s32 @!p0 $0x0  }
0xa: {  	s10 =	smov.u32 s3;
	[sflag:s5] =	ssyncpa.u1 $0x0;
	s6 =	sadd.s32 s7, s6  }
0xb: {  	[sflag:s8] =	ssyncpa.u1 $0x0;
	s8 =	simm.s32 $0x0;
	s7 =	sadd.s32 $0x1, s6  }
.LBB1_9:
0xc: {  	s14 =	sadd.s32 $0x80, s10  }
0xd: {  	p1 =	sgt.s32 s14, $0x181F  }
0xe: {  	s14 =	smov.u32 @p1 s3;
	p1 =	sne.s32 s11, s7  }
.Ltmp1:
0xf: {  	p0 =	slt.u32 s11, $0x2;
	(pc) =	sbr.rel @!p1 .LBB1_10-.Ltmp1, $4  }
0x10: {  	s13 =	simm.s32 @!p0 $0x2  }
0x11: {  	s15 =	sadd.s32 $0x1, s11;
	_ =	swait.ge @!p0 [sflag:s13], $0x4000  }
0x12: {  	s12 =	smov.u32 s10;
	s9 =	sadd.s32 $0x4000, s9;
	[sflag:s13] =	ssyncset.done @!p0 $0x0  }
0x13: {  	s11 =	smov.u32 s15;
	s10 =	smov.u32 s14;
	[sflag:s13] =	ssyncadd.s32 @!p0 $0xFFFFC000  }
.LBB1_1:
0x14: {  	p0 =	sge.u32 s11, s6  }
0x15: {  	s13 =	sxor.u32 @!p0 $0xFFFFFFFF, s11  }
0x16: {  	s31 =	sadd.s32 $0xFFFFFFFF, s11;
	s14 =	sshll.u32 @!p0 s10, $0x9;
	s13 =	sshll.u32 @!p0 s13, $0xE  }
0x17: {  	s15 =	simm.s32 @!p0 $0x0;
	s14 =	sadd.s32 @!p0 s2, s14;
	s13 =	sand.u32 @!p0 $0x4000, s13  }
0x18: {  	[tilespmem:s13], [sflag:$0x1] =	stream.linear.gather @!p0 [hbm4b:s14+s15], $0x4000, $0x38;
	[tilespmem:$0x10000] =	vst v63  }
0x19: {  	p0 =	sge.u32 s31, s6  }
.Ltmp2:
0x1a: {  	_ = 	snop;
	(pc) =	sbr.rel @p0 .LBB1_9-.Ltmp2, $1  }
0x1b: {  	_ =	sdelay $0x3  }
0x1c: {  	s14 =	sand.u32 $0x4000, s9  }
0x1d: {  	_ =	swait.ge [sflag:s5], $0x4000;
	s15 =	sshll.u32 s11, $0xE;
	s16 =	simm.s32 $0x0  }
0x1e: {  	s13 =	sor.u32 $0x40, s14;
	[sflag:s5] =	ssyncset.done $0x0;
	s15 =	sand.u32 $0x4000, s15  }
0x1f: {  	s14 =	sor.u32 $0x8040, s14;
	[sflag:s5] =	ssyncadd.s32 $0xFFFFC000;
	s15 =	sor.u32 $0x8000, s15  }
.LBB1_3:
0x20: {  	s17 =	smov.u32 s14;
	s18 =	smov.u32 s13;
	s19 =	simm.s32 $0x0  }
.LBB1_4:
0x21: {  	v0 =	vmov s17;
	v2 =	vld [tilespmem:s18+$0x30]  }
0x22: {  	v4 =	vld [tilespmem:s18+$0xFFFFFFD0]  }
0x23: {  	v6 =	vld [tilespmem:s18+$0xFFFFFFE0]  }
0x24: {  	v7 =	vld [tilespmem:s18+$0xFFFFFFF0]  }
0x25: {  	s20 =	simm.s32 $0x0;
	v1 =	vld [tilespmem:s18+$0x0]  }
0x26: {  	v3 =	vld [tilespmem:s18+$0x10];
	[tilespmem:v0+s20+$0x30 ss:$0x1] =	vst.idx.msk $0xffff, v2  }
0x27: {  	v5 =	vld [tilespmem:s18+$0x20];
	[tilespmem:v0+s20+$0xFFFFFFD0 ss:$0x1] =	vst.idx.msk $0xffff, v4  }
0x28: {  	s21 =	sadd.s32 $0x80, s18;
	v2 =	vld [tilespmem:s18+$0xFFFFFFC0];
	[tilespmem:v0+s20+$0xFFFFFFE0 ss:$0x1] =	vst.idx.msk $0xffff, v6  }
0x29: {  	s22 =	simm.s32 $0x800;
	s23 =	simm.s32 $0x1000;
	v4 =	vld [tilespmem:s21+$0x30];
	[tilespmem:v0+s20+$0xFFFFFFF0 ss:$0x1] =	vst.idx.msk $0xffff, v7  }
.LBB1_5:
0x2a: {  	p0 =	sne.s32 s23, $0x3800;
	v6 =	vld [tilespmem:s21+$0xFFFFFFD0];
	[tilespmem:v0+s20+$0x0 ss:$0x1] =	vst.idx.msk $0xffff, v1  }
0x2b: {  	v7 =	vld [tilespmem:s21+$0xFFFFFFE0];
	[tilespmem:v0+s20+$0x10 ss:$0x1] =	vst.idx.msk $0xffff, v3  }
0x2c: {  	v8 =	vld [tilespmem:s21+$0xFFFFFFF0];
	[tilespmem:v0+s20+$0x20 ss:$0x1] =	vst.idx.msk $0xffff, v5  }
.Ltmp3:
0x2d: {  	v1 =	vld [tilespmem:s21+$0x0];
	[tilespmem:v0+s20+$0xFFFFFFC0 ss:$0x1] =	vst.idx.msk $0xffff, v2;
	s20 =	sshra.s32 s22, $0x2;
	s22 =	smov.u32 s23;
	(pc) =	sbr.rel @p0 .LBB1_5-.Ltmp3, $4  }
0x2e: {  	v3 =	vld [tilespmem:s21+$0x10];
	[tilespmem:v0+s20+$0x30 ss:$0x1] =	vst.idx.msk $0xffff, v4  }
0x2f: {  	[tilespmem:v0+s20+$0xFFFFFFD0 ss:$0x1] =	vst.idx.msk $0xffff, v6;
	v5 =	vld [tilespmem:s21+$0x20]  }
0x30: {  	v2 =	vld [tilespmem:s21+$0xFFFFFFC0];
	[tilespmem:v0+s20+$0xFFFFFFE0 ss:$0x1] =	vst.idx.msk $0xffff, v7;
	s21 =	sadd.s32 $0x80, s21  }
0x31: {  	s23 =	sadd.s32 $0x800, s23;
	v4 =	vld [tilespmem:s21+$0x30];
	[tilespmem:v0+s20+$0xFFFFFFF0 ss:$0x1] =	vst.idx.msk $0xffff, v8  }
0x32: {  	_ =	sdelay $0x3  }
0x33: {  	v6 =	vld [tilespmem:s21+$0xFFFFFFD0];
	[tilespmem:v0+s20+$0x0 ss:$0x1] =	vst.idx.msk $0xffff, v1  }
0x34: {  	v58 =	vld [tilespmem:s21+$0xFFFFFFE0];
	[tilespmem:v0+s20+$0x10 ss:$0x1] =	vst.idx.msk $0xffff, v3  }
0x35: {  	v59 =	vld [tilespmem:s21+$0xFFFFFFF0];
	[tilespmem:v0+s20+$0x20 ss:$0x1] =	vst.idx.msk $0xffff, v5  }
0x36: {  	s22 =	sshra.s32 s22, $0x2;
	v60 =	vld [tilespmem:s21+$0x0];
	[tilespmem:v0+s20+$0xFFFFFFC0 ss:$0x1] =	vst.idx.msk $0xffff, v2  }
0x37: {  	v61 =	vld [tilespmem:s21+$0x10];
	[tilespmem:v0+s22+$0x30 ss:$0x1] =	vst.idx.msk $0xffff, v4  }
0x38: {  	v62 =	vld [tilespmem:s21+$0x20];
	s19 =	sadd.s32 $0x1, s19;
	[tilespmem:v0+s22+$0xFFFFFFD0 ss:$0x1] =	vst.idx.msk $0xffff, v6  }
0x39: {  	v63 =	vld [tilespmem:s21+$0xFFFFFFC0];
	p0 =	sne.s32 s19, $0x4;
	[tilespmem:v0+s22+$0xFFFFFFE0 ss:$0x1] =	vst.idx.msk $0xffff, v58  }
.Ltmp4:
0x3a: {  	[tilespmem:v0+s22+$0xFFFFFFF0 ss:$0x1] =	vst.idx.msk $0xffff, v59;
	(pc) =	sbr.rel @p0 .LBB1_4-.Ltmp4, $4  }
0x3b: {  	[tilespmem:v0+s22+$0x0 ss:$0x1] =	vst.idx.msk $0xffff, v60  }
0x3c: {  	[tilespmem:v0+s22+$0x10 ss:$0x1] =	vst.idx.msk $0xffff, v61  }
0x3d: {  	[tilespmem:v0+s22+$0x20 ss:$0x1] =	vst.idx.msk $0xffff, v62  }
0x3e: {  	s18 =	sadd.s32 $0x400, s18;
	s17 =	sadd.s32 $0x80, s17;
	[tilespmem:v0+s22+$0xFFFFFFC0 ss:$0x1] =	vst.idx.msk $0xffff, v63  }
0x3f: {  	s16 =	sadd.s32 $0x1, s16  }
0x40: {  	p0 =	sne.s32 s16, $0x4  }
.Ltmp5:
0x41: {  	_ = 	snop;
	(pc) =	sbr.rel @p0 .LBB1_3-.Ltmp5, $2  }
0x42: {  	_ =	sdelay $0x2  }
0x43: {  	s13 =	sadd.s32 $0x1000, s13;
	s14 =	sadd.s32 $0x1000, s14  }
.Ltmp6:
0x44: {  	(pc) =	sbr.rel .LBB1_9-.Ltmp6, $4  }
0x45: {  	_ = 	snop  }
0x46: {  	s12 =	sshll.u32 s12, $0x9  }
0x47: {  	s12 =	sadd.s32 s4, s12  }
0x48: {  	[hbm4b:s12+s8] =	stream.linear.scatter [tilespmem:s15], [sflag:$0x2], $0x4000, $0x38;
	[tilespmem:$0x10000] =	vst v63  }
.LBB1_10:
0x49: {  	_ =	sfence.sel $0x180000  }
0x4a: {  	s2 =	simm.s32 $0x1;
	[bflag:$0x0] =	sbarrier.arrive $0xFFFF  }
0x4b: {  	s31 =	simm.s32 $0x2;
	[sflag:s2] =	ssyncpa.u1 $0x1  }
0x4c: {  	[sflag:s31] =	ssyncpa.u1 $0x1  }
0x4d: {  	p0 =	sne.s32 s0, $0x0;
	_ =	strace $0x90000047  }
0x4e: {  	s0 =	sadd.s32 @!p0 $0x100000, s1;
	[bflag:$0x2] =	sbarrier.arrive $0xFFFF  }
0x4f: {  	[sflag:s0] =	ssyncadd.tile.s32 @!p0 $0x1;
	_ =	shalt  }
.Lfunc_end1:
_tile_overlayer_lowered:
.L_overlay_start_2:
0x50: {  	(tag) =	ssettag $0x2  }
0x51: {  	s0 =	rddreg [dreg:$0x0];
	s2 =	stileid.u32  }
0x52: {  	s1 =	rddreg [dreg:$0x1];
	p0 =	sne.s32 s2, $0x0  }
0x53: {  	s3 =	rddreg [dreg:$0x2];
	[bflag:$0x3] =	sbarrier.arrive $0xFFFF;
	s2 =	simm.s32 @!p0 $0x1C01  }
0x54: {  	[timem:s3], [sflag:s2] =	dma.local @!p0 [hbm:s0], s1  }
0x55: {  	s0 =	simm.s32 @!p0 $0x1  }
0x56: {  	_ =	swait.ge @!p0 [sflag:s0], s1  }
0x57: {  	s1 =	ssub.s32 @!p0 $0x0, s1;
	[sflag:s0] =	ssyncset.done @!p0 $0x0  }
0x58: {  	[sflag:s0] =	ssyncadd.s32 @!p0 s1  }
0x59: {  	[bflag:$0x3] =	sbarrier.arrive $0xFFFF  }
0x5a: {  	_ =	shalt  }

// kernel: sparse-core-data-format-call.cloned.1.call-start
scs
called_computation_lowered:
.L_overlay_start_0:
0x0: {  	s2 =	sld [smem:$0x3FD9]  }
0x1: {  	s3 =	sld [smem:$0x3FFE];
	_ =	sdelay $0x1  }
0x2: {  	s1 =	srdreg.scid  }
0x3: {  	s0 =	sand.u32 $0x1, s1  }
0x4: {  	s18 =	sshll.u32 s0, $0xA;
	s2 =	sadd.s32 s3, s2  }
0x5: {  	s2 =	sadd.s32 s2, s18  }
0x6: {  	[smem:$0x3FC5] =	sst s2  }
0x7: {  	_ = 	snop  }
0x8: {  	s2 =	sld [smem:$0x3FD0];
	(tm) =	ssettm $0x1  }
0x9: {  	s19 =	sld [smem:$0x3FFB];
	_ =	sdelay $0x3  }
0xa: {  	_ =	strace s19  }
0xb: {  	s3 =	sld [smem:$0x3FFC];
	_ =	sdelay $0x3  }
0xc: {  	_ =	strace s3  }
0xd: {  	s3 =	sld [smem:$0x3FFD];
	_ =	sdelay $0x3  }
0xe: {  	_ =	strace s3  }
0xf: {  	_ =	strace $0x8FFFFFFF  }
0x10: {  	s20 =	sld [smem:$0x3FDB];
	_ =	sdelay $0x1  }
0x11: {  	s4 =	simm.s32 $_scs_section_size  }
0x12: {  	s5 =	simm.s32 $_size__tile_overlayer_lowered;
	s6 =	simm.s32 $_tile_overlayer_lowered  }
0x13: {  	s23 =	simm.s32 $0x1BFF;
	s22 =	sshll.u32 s6, $0x1;
	s3 =	sadd.s32 s4, s20  }
0x14: {  	s7 =	simm.s32 $0x0;
	s21 =	sshll.u32 s5, $0x1;
	s5 =	sadd.s32 s22, s3  }
0x15: {  	[timem:s7], [sflag:s23] =	dma.local [hbm:s5], s21  }
0x16: {  	_ =	swait.ge [sflag:s23], s21  }
0x17: {  	s4 =	ssub.s32 $0x0, s21;
	[sflag:s23] =	ssyncset.done $0x0  }
0x18: {  	[sflag:s23] =	ssyncadd.s32 s4;
	_ =	sdelay $0x1  }
0x19: {  	s24 =	simm.s32 $0x1B8B  }
0x1a: {  	_ =	swait.ge [sflag:s24], $0x1  }
0x1b: {  	[sflag:s24] =	ssyncset.done $0x0  }
0x1c: {  	s26 =	simm.s32 $0x1B8E;
	s25 =	sld [smem:$0x3FFE];
	[sflag:s24] =	ssyncadd.s32 $0xFFFFFFFF  }
0x1d: {  	s27 =	simm.s32 $execute0_lowered;
	[smem:$0x3FD2] =	sst s26  }
0x1e: {  	s5 =	sshll.u32 s27, $0x1;
	_ =	strace $0x8000004C;
	[dreg:$0x1] =	wrdreg $0xFFFFFFFF  }
0x1f: {  	s28 =	simm.s32 $_size_execute0_lowered;
	s3 =	sadd.s32 s3, s5;
	[dreg:$0x0] =	wrdreg $0x0  }
0x20: {  	s5 =	sshll.u32 s28, $0x1;
	[dreg:$0x2] =	wrdreg s3  }
0x21: {  	[dreg:$0x3] =	wrdreg s5  }
0x22: {  	[dreg:$0x4] =	wrdreg $0xC0  }
0x23: {  	_ =	task [dreg:s7], $0x5FFFF  }
0x24: {  	[dreg:$0x1] =	wrdreg $0xFFFFFFFF  }
0x25: {  	[dreg:$0x0] =	wrdreg $0x60  }
0x26: {  	[dreg:$0x2] =	wrdreg s25  }
0x27: {  	[dreg:$0x3] =	wrdreg s2  }
0x28: {  	[dreg:$0x4] =	wrdreg $0x9  }
0x29: {  	_ =	task.clear_ibuf [dreg:s7], $0x5FFFF;
	_ =	strace $0x9000004C  }
0x2a: {  	s29 =	simm.s32 $0x9;
	_ =	strace $0x8000004E  }
0x2b: {  	_ =	swait.ge [sflag:s29], $0x1  }
0x2c: {  	[sflag:s29] =	ssyncadd.s32 $0xFFFFFFFF  }
0x2d: {  	_ =	strace $0x9000004E  }
0x2e: {  	_ =	sfence  }
0x2f: {  	s30 =	sld [smem:$0x0];
	_ =	sdelay $0x2  }
0x30: {  	s31 =	sshll.u32 s1, $0xD;
	s1 =	sshrl.u32 s1, $0x2  }
0x31: {  	s3 =	sand.u32 $0x4000, s31;
	s1 =	sadd.s32 s1, s30  }
0x32: {  	s0 =	sor.u32 s3, s0;
	s1 =	sshll.u32 s1, $0x11  }
0x33: {  	s0 =	sor.u32 s1, s0  }
0x34: {  	s0 =	sadd.s32 $0x8F2B, s0  }
0x35: {  	[sflag:s0] =	ssyncadd.remote.s32 $0x1  }
0x36: {  	_ =	sfence.sel $0xFFFF  }
0x37: {  	[dreg:$0x0] =	wrdreg $0xFFFFFFFF;
	(pc) =	sbr.abs _section_cstart, $3  }
0x38: {  	[dreg:$0x1] =	wrdreg $0xFFFFFFFF  }
0x39: {  	_ =	task.clear_ibuf [dreg:s7], $0x2FFFF;
	_ =	strace $0x9FFFFFFF  }
0x3a: {  	(tm) =	ssettm $0x7FFFFFFF  }
0x3b: {  	_ =	shalt  }
tec
execute0_lowered:
.L_overlay_start_1:
0x0: {  	(tag) =	ssettag $0x1  }
0x1: {  	s0 =	srdreg.scid  }
0x2: {  	s1 =	sshll.u32 s0, $0x4  }
0x3: {  	s8 =	rddreg [dreg:$0x0];
	s0 =	stileid.u32;
	s1 =	sand.u32 $0x10, s1  }
0x4: {  	s3 =	rddreg [dreg:$0x1];
	s29 =	sshll.u32 s0, $0x7;
	s7 =	sor.u32 s0, s1  }
0x5: {  	s30 =	simm.s32 $0x2;
	s1 =	sand.u32 $0x380, s29;
	s2 =	sshll.u32 s7, $0x4  }
0x6: {  	s18 =	simm.s32 $0x0;
	s4 =	ssub.s32 $0x400, s1;
	s2 =	sand.u32 $0x180, s2  }
0x7: {  	s11 =	simm.s32 $0x1000;
	s5 =	sand.u32 $0x380, s4;
	s6 =	ssub.s32 $0x200, s2  }
0x8: {  	p0 =	sne.s32 s5, $0x0;
	s5 =	simm.s32 $0x1;
	s9 =	sand.u32 $0x180, s6  }
0x9: {  	s5 =	simm.s32 @!p0 $0x0;
	p0 =	sne.s32 s9, $0x0;
	s9 =	simm.s32 $0x1  }
0xa: {  	s10 =	sshrl.u32 s4, $0xA;
	s6 =	sshrl.u32 s6, $0x9;
	s9 =	simm.s32 @!p0 $0x0  }
0xb: {  	s12 =	simm.s32 $0x0;
	s10 =	sadd.s32 s5, s10;
	s6 =	sadd.s32 s9, s6  }
0xc: {  	s16 =	simm.s32 $0x0;
	s17 =	simm.s32 $0x0;
	s6 =	smul.u32 s6, s10  }
.Ltmp0:
0xd: {  	s13 =	simm.s32 $0x0;
	s15 =	simm.s32 $0x0;
	(pc) =	sbr.rel .LBB1_1-.Ltmp0, $4  }
0xe: {  	s31 =	sshll.u32 s7, $0x7;
	s7 =	sadd.s32 $0xE00, s8;
	s4 =	rddreg [dreg:$0x2]  }
0xf: {  	_ =	strace $0x8000004D;
	s5 =	simm.s32 $0x1;
	s6 =	smul.u32 $0x4D, s6  }
0x10: {  	s14 =	smov.u32 s1;
	s8 =	sand.u32 $0xC00, s31;
	[sflag:s5] =	ssyncpa.u1 $0x0  }
0x11: {  	[sflag:s30] =	ssyncpa.u1 $0x0;
	s10 =	simm.s32 $0x400;
	s9 =	sadd.s32 $0x1, s6  }
.LBB1_4:
0x12: {  	_ =	sdelay $0x3  }
0x13: {  	[tilespmem:v0+s21+$0xFFFFFFD0 ss:$0x1] =	vst.idx.msk $0xffff, v6  }
0x14: {  	v56 =	vld.idx.msk [tilespmem:v1+s20+$0x0 ss:$0x1], $0xffff;
	[tilespmem:v0+s21+$0xFFFFFFE0 ss:$0x1] =	vst.idx.msk $0xffff, v4  }
0x15: {  	v57 =	vld.idx.msk [tilespmem:v1+s20+$0xFFFFFF90 ss:$0x1], $0xffff;
	[tilespmem:v0+s21+$0xFFFFFFF0 ss:$0x1] =	vst.idx.msk $0xffff, v2  }
0x16: {  	v58 =	vld.idx.msk [tilespmem:v1+s20+$0xFFFFFFA0 ss:$0x1], $0xffff;
	[tilespmem:v0+s21+$0x0 ss:$0x1] =	vst.idx.msk $0xffff, v3  }
0x17: {  	v59 =	vld.idx.msk [tilespmem:v1+s20+$0xFFFFFFB0 ss:$0x1], $0xffff;
	[tilespmem:v0+s21+$0x10 ss:$0x1] =	vst.idx.msk $0xffff, v5  }
0x18: {  	v60 =	vld.idx.msk [tilespmem:v1+s20+$0xFFFFFFC0 ss:$0x1], $0xffff;
	[tilespmem:v0+s21+$0x20 ss:$0x1] =	vst.idx.msk $0xffff, v7  }
0x19: {  	v61 =	vld.idx.msk [tilespmem:v1+s20+$0xFFFFFFD0 ss:$0x1], $0xffff;
	[tilespmem:v0+s20+$0x30 ss:$0x1] =	vst.idx.msk $0xffff, v56  }
0x1a: {  	v62 =	vld.idx.msk [tilespmem:v1+s20+$0xFFFFFFE0 ss:$0x1], $0xffff;
	s29 =	sshll.u32 s17, $0x9;
	[tilespmem:v0+s20+$0xFFFFFFC0 ss:$0x1] =	vst.idx.msk $0xffff, v57  }
0x1b: {  	v63 =	vld.idx.msk [tilespmem:v1+s20+$0xFFFFFFF0 ss:$0x1], $0xffff;
	s18 =	sshll.u32 s18, $0x3;
	s22 =	sshll.u32 s17, $0x7;
	s21 =	sand.u32 $0x7F000, s29;
	[tilespmem:v0+s20+$0xFFFFFFD0 ss:$0x1] =	vst.idx.msk $0xffff, v58  }
0x1c: {  	s30 =	sand.u32 $0x200, s22;
	s18 =	sor.u32 s21, s18;
	[tilespmem:v0+s20+$0xFFFFFFE0 ss:$0x1] =	vst.idx.msk $0xffff, v59  }
0x1d: {  	s16 =	sshll.u32 s16, $0x10;
	s31 =	sshll.u32 s17, $0x4;
	s18 =	sor.u32 s30, s18;
	[tilespmem:v0+s20+$0xFFFFFFF0 ss:$0x1] =	vst.idx.msk $0xffff, v60  }
0x1e: {  	s17 =	sand.u32 $0x30, s31;
	s16 =	sadd.s32 s3, s16;
	s18 =	sshrl.u32 s18, $0x3;
	[tilespmem:v0+s20+$0x0 ss:$0x1] =	vst.idx.msk $0xffff, v61  }
0x1f: {  	s16 =	sadd.s32 s17, s16;
	[tilespmem:v0+s20+$0x10 ss:$0x1] =	vst.idx.msk $0xffff, v62;
	s18 =	sand.u32 $0xFFC0, s18  }
0x20: {  	[tilespmem:v0+s20+$0x20 ss:$0x1] =	vst.idx.msk $0xffff, v63;
	s16 =	sadd.s32 s18, s16  }
0x21: {  	[hbm4b:s16+s10] =	stream.strided.scatter [tilespmem:s19], [sflag:$0x2], $0x4000, s11, s10, $0x38;
	[tilespmem:$0x10000] =	vst v63  }
.LBB1_5:
0x22: {  	s19 =	sadd.s32 $0x1, s13  }
0x23: {  	s16 =	sadd.s32 $0x400, s14;
	s20 =	smov.u32 s14;
	p1 =	sgt.s32 s19, $0x4C  }
0x24: {  	s20 =	smov.u32 @p1 s16  }
0x25: {  	s19 =	simm.s32 @p1 $0x0;
	p1 =	sgt.s32 s20, $0x3FF  }
0x26: {  	s20 =	smov.u32 @p1 s1;
	p1 =	sne.s32 s15, s9  }
.Ltmp1:
0x27: {  	p0 =	slt.u32 s15, $0x2;
	(pc) =	sbr.rel @!p1 .LBB1_6-.Ltmp1, $4  }
0x28: {  	s17 =	smov.u32 s14;
	s18 =	simm.s32 @!p0 $0x2  }
0x29: {  	s12 =	sadd.s32 $0x4000, s12;
	_ =	swait.ge @!p0 [sflag:s18], $0x4000;
	s16 =	smov.u32 s13  }
0x2a: {  	[sflag:s18] =	ssyncset.done @!p0 $0x0;
	s13 =	smov.u32 s19;
	s15 =	sadd.s32 $0x1, s15  }
0x2b: {  	[sflag:s18] =	ssyncadd.s32 @!p0 $0xFFFFC000;
	s18 =	smov.u32 s2;
	s14 =	smov.u32 s20  }
.LBB1_1:
0x2c: {  	p0 =	sge.u32 s15, s6  }
0x2d: {  	s19 =	sshll.u32 @!p0 s13, $0x9  }
0x2e: {  	s20 =	sshll.u32 @!p0 s13, $0x7;
	s19 =	sand.u32 @!p0 $0xFFFFF000, s19  }
0x2f: {  	s20 =	sand.u32 @!p0 $0x200, s20;
	s19 =	sor.u32 @!p0 s8, s19  }
0x30: {  	s19 =	sor.u32 @!p0 s20, s19  }
0x31: {  	s19 =	sshrl.u32 @!p0 s19, $0x9  }
0x32: {  	s20 =	smulhi.u32 @!p0 $0x3333334, s19;
	_ =	sdelay $0x1  }
0x33: {  	s20 =	smul.u32 @!p0 $0x50, s20  }
0x34: {  	s31 =	sadd.s32 $0xFFFFFFFF, s15;
	s21 =	smul.u32 @!p0 $0x1400, s14  }
0x35: {  	s22 =	sxor.u32 @!p0 $0xFFFFFFFF, s15;
	s19 =	ssub.s32 @!p0 s19, s20;
	s20 =	sshll.u32 @!p0 s13, $0x4  }
0x36: {  	s22 =	sshll.u32 @!p0 s22, $0xE;
	s21 =	sadd.s32 @!p0 s7, s21;
	s20 =	sand.u32 @!p0 $0x30, s20  }
0x37: {  	s22 =	sand.u32 @!p0 $0x4000, s22;
	s19 =	sshll.u32 @!p0 s19, $0x6;
	s20 =	sadd.s32 @!p0 s20, s21  }
0x38: {  	s21 =	simm.s32 @!p0 $0xA000;
	s19 =	sadd.s32 @!p0 s19, s20;
	s20 =	simm.s32 @!p0 $0x80  }
0x39: {  	[tilespmem:s22], [sflag:$0x1] =	stream.strided.gather @!p0 [hbm4b:s19+s20], $0x4000, s21, s20, $0x38;
	[tilespmem:$0x10000] =	vst v63  }
0x3a: {  	p0 =	sge.u32 s31, s6  }
.Ltmp2:
0x3b: {  	_ = 	snop;
	(pc) =	sbr.rel @p0 .LBB1_5-.Ltmp2, $1  }
0x3c: {  	_ =	sdelay $0x3  }
0x3d: {  	s19 =	sand.u32 $0x4000, s12  }
0x3e: {  	s20 =	sor.u32 $0x70, s19  }
0x3f: {  	v1 =	vmov s20;
	_ =	sdelay $0x1  }
0x40: {  	_ =	swait.ge [sflag:s5], $0x4000  }
0x41: {  	[sflag:s5] =	ssyncset.done $0x0  }
0x42: {  	s21 =	simm.s32 $0x0;
	[sflag:s5] =	ssyncadd.s32 $0xFFFFC000  }
0x43: {  	s19 =	sor.u32 $0x8040, s19;
	v7 =	vld.idx.msk [tilespmem:v1+s21+$0x0 ss:$0x1], $0xffff  }
0x44: {  	v0 =	vmov s19;
	v8 =	vld.idx.msk [tilespmem:v1+s21+$0xFFFFFF90 ss:$0x1], $0xffff  }
0x45: {  	v6 =	vld.idx.msk [tilespmem:v1+s21+$0xFFFFFFA0 ss:$0x1], $0xffff  }
0x46: {  	v4 =	vld.idx.msk [tilespmem:v1+s21+$0xFFFFFFB0 ss:$0x1], $0xffff  }
0x47: {  	v2 =	vld.idx.msk [tilespmem:v1+s21+$0xFFFFFFC0 ss:$0x1], $0xffff  }
0x48: {  	s31 =	sshll.u32 s15, $0xE;
	v3 =	vld.idx.msk [tilespmem:v1+s21+$0xFFFFFFD0 ss:$0x1], $0xffff  }
0x49: {  	s19 =	sand.u32 $0x4000, s31;
	v5 =	vld.idx.msk [tilespmem:v1+s21+$0xFFFFFFE0 ss:$0x1], $0xffff;
	[tilespmem:v0+s21+$0x30 ss:$0x1] =	vst.idx.msk $0xffff, v7  }
0x4a: {  	s22 =	simm.s32 $0x400;
	s20 =	simm.s32 $0x80;
	s19 =	sor.u32 $0x8000, s19;
	[tilespmem:v0+s21+$0xFFFFFFC0 ss:$0x1] =	vst.idx.msk $0xffff, v8;
	v7 =	vld.idx.msk [tilespmem:v1+s21+$0xFFFFFFF0 ss:$0x1], $0xffff  }
.LBB1_3:
0x4b: {  	p0 =	sne.s32 s22, $0xFE00;
	v8 =	vld.idx.msk [tilespmem:v1+s20+$0x0 ss:$0x1], $0xffff;
	[tilespmem:v0+s21+$0xFFFFFFD0 ss:$0x1] =	vst.idx.msk $0xffff, v6  }
0x4c: {  	v9 =	vld.idx.msk [tilespmem:v1+s20+$0xFFFFFF90 ss:$0x1], $0xffff;
	[tilespmem:v0+s21+$0xFFFFFFE0 ss:$0x1] =	vst.idx.msk $0xffff, v4  }
0x4d: {  	v6 =	vld.idx.msk [tilespmem:v1+s20+$0xFFFFFFA0 ss:$0x1], $0xffff;
	[tilespmem:v0+s21+$0xFFFFFFF0 ss:$0x1] =	vst.idx.msk $0xffff, v2  }
.Ltmp3:
0x4e: {  	v4 =	vld.idx.msk [tilespmem:v1+s20+$0xFFFFFFB0 ss:$0x1], $0xffff;
	[tilespmem:v0+s21+$0x0 ss:$0x1] =	vst.idx.msk $0xffff, v3;
	(pc) =	sbr.rel @p0 .LBB1_3-.Ltmp3, $4  }
0x4f: {  	v2 =	vld.idx.msk [tilespmem:v1+s20+$0xFFFFFFC0 ss:$0x1], $0xffff;
	[tilespmem:v0+s21+$0x10 ss:$0x1] =	vst.idx.msk $0xffff, v5  }
0x50: {  	v3 =	vld.idx.msk [tilespmem:v1+s20+$0xFFFFFFD0 ss:$0x1], $0xffff;
	[tilespmem:v0+s21+$0x20 ss:$0x1] =	vst.idx.msk $0xffff, v7;
	s21 =	smov.u32 s20  }
0x51: {  	v5 =	vld.idx.msk [tilespmem:v1+s21+$0xFFFFFFE0 ss:$0x1], $0xffff;
	[tilespmem:v0+s21+$0x30 ss:$0x1] =	vst.idx.msk $0xffff, v8  }
0x52: {  	s20 =	sshra.s32 s22, $0x2;
	s22 =	sadd.s32 $0x200, s22;
	[tilespmem:v0+s21+$0xFFFFFFC0 ss:$0x1] =	vst.idx.msk $0xffff, v9;
	v7 =	vld.idx.msk [tilespmem:v1+s21+$0xFFFFFFF0 ss:$0x1], $0xffff  }
.Ltmp4:
0x53: {  	_ = 	snop;
	(pc) =	sbr.rel .LBB1_4-.Ltmp4, $1  }
0x54: {  	_ =	sdelay $0x3  }
.LBB1_6:
0x55: {  	_ =	sfence.sel $0x180000  }
0x56: {  	s1 =	simm.s32 $0x1;
	[bflag:$0x0] =	sbarrier.arrive $0xFFFF  }
0x57: {  	s31 =	simm.s32 $0x2;
	[sflag:s1] =	ssyncpa.u1 $0x1  }
0x58: {  	[sflag:s31] =	ssyncpa.u1 $0x1  }
0x59: {  	p0 =	sne.s32 s0, $0x0;
	_ =	strace $0x9000004D  }
0x5a: {  	s0 =	sadd.s32 @!p0 $0x100000, s4;
	[bflag:$0x2] =	sbarrier.arrive $0xFFFF  }
0x5b: {  	[sflag:s0] =	ssyncadd.tile.s32 @!p0 $0x1;
	_ =	shalt  }
.Lfunc_end1:
_tile_overlayer_lowered:
.L_overlay_start_2:
0x5c: {  	(tag) =	ssettag $0x2  }
0x5d: {  	s0 =	rddreg [dreg:$0x0];
	s2 =	stileid.u32  }
0x5e: {  	s1 =	rddreg [dreg:$0x1];
	p0 =	sne.s32 s2, $0x0  }
0x5f: {  	s3 =	rddreg [dreg:$0x2];
	[bflag:$0x3] =	sbarrier.arrive $0xFFFF;
	s2 =	simm.s32 @!p0 $0x1C01  }
0x60: {  	[timem:s3], [sflag:s2] =	dma.local @!p0 [hbm:s0], s1  }
0x61: {  	s0 =	simm.s32 @!p0 $0x1  }
0x62: {  	_ =	swait.ge @!p0 [sflag:s0], s1  }
0x63: {  	s1 =	ssub.s32 @!p0 $0x0, s1;
	[sflag:s0] =	ssyncset.done @!p0 $0x0  }
0x64: {  	[sflag:s0] =	ssyncadd.s32 @!p0 s1  }
0x65: {  	[bflag:$0x3] =	sbarrier.arrive $0xFFFF  }
0x66: {  	_ =	shalt  }

</sc_bundles>
